<compile_context>
chip_gen: v7x
topology: tpu7x:2x2x1
jax: 0.10.2.dev20260603
libtpu: 0.0.44.dev20260713+nightly
codegen_flags: <defaults>
</compile_context>

<pallas_src>
import functools

import jax
import jax.numpy as jnp
from jax import lax
from jax.experimental import pallas as pl
from jax.experimental.pallas import tpu as pltpu
from jax.experimental.pallas import tpu_sc as plsc

B, N, D, K = 4, 4096, 64, 16
R = 256
NT = N // R
XA = 8
D2 = 2 * D

NC, NS = 2, 16
NW = NC * NS
ROWS_TOTAL = B * N * K
RW = ROWS_TOTAL // NW
CH = 256
NCH = RW // CH


def _proj_body(f_ref, xyz_ref, wq_ref, bq_ref, wk_ref, bk_ref, wv_ref, bv_ref,
               wd1_ref, q_ref, kv_ref, e2_ref):
    f = f_ref[0]
    q_ref[0] = jnp.dot(f, wq_ref[...], preferred_element_type=jnp.float32) + bq_ref[...]
    k = jnp.dot(f, wk_ref[...], preferred_element_type=jnp.float32) + bk_ref[...]
    v = jnp.dot(f, wv_ref[...], preferred_element_type=jnp.float32) + bv_ref[...]
    kv_ref[...] = jnp.concatenate([k, v], axis=1)
    e = jnp.dot(xyz_ref[0], wd1_ref[...], preferred_element_type=jnp.float32)
    e2_ref[...] = jnp.concatenate([e, jnp.zeros((N, D), jnp.float32)], axis=1)


def _knn_body(lhs_ref, rhs_ref, sqc_ref, sqr_ref, iota_ref, idx_ref):
    dot = jnp.dot(lhs_ref[0], rhs_ref[0], preferred_element_type=jnp.float32)
    d = (sqc_ref[0] + sqr_ref[0]) - 2.0 * dot
    iota = iota_ref[0]
    cols = []
    for _ in range(K):
        m = jnp.min(d, axis=1, keepdims=True)
        sel = jnp.min(jnp.where(d <= m, iota, jnp.float32(N)),
                      axis=1, keepdims=True)
        cols.append(sel)
        d = jnp.where(iota == sel, jnp.inf, d)
    idx = jnp.concatenate(cols, axis=1).astype(jnp.int32)
    idx_ref[0] = idx + N * pl.program_id(0)


def _attn_body(q_ref, kvg_ref, eg_ref, xyz_ref, f_ref,
               wd1_ref, bd1_ref, wd2_ref, bd2_ref, w2_ref, b2_ref, out_ref):
    ei = jnp.dot(xyz_ref[0], wd1_ref[...],
                 preferred_element_type=jnp.float32) + bd1_ref[...]
    e3 = eg_ref[:, :D].reshape(R, K, D)
    h = jnp.maximum(ei[:, None, :] - e3, 0.0)
    pos = jnp.dot(h.reshape(R * K, D), wd2_ref[...],
                  preferred_element_type=jnp.float32) + bd2_ref[...]
    kpe = (kvg_ref[:, :D] + pos).reshape(R, K, D)
    logits = jnp.sum(q_ref[0][:, None, :] * kpe, axis=2) * 0.125
    m = jnp.max(logits, axis=1, keepdims=True)
    e = jnp.exp(logits - m)
    a = e / jnp.sum(e, axis=1, keepdims=True)
    vpe = (kvg_ref[:, D:] + pos).reshape(R, K, D)
    o = jnp.sum(a[:, :, None] * vpe, axis=1)
    out_ref[0] = jnp.dot(o, w2_ref[...], preferred_element_type=jnp.float32) \
        + b2_ref[...] + f_ref[0]


def _sc_gather_body(idx_hbm, kv_hbm, e2_hbm,
                    kvg_hbm, eg_hbm,
                    idx_v, kvb, eb, s1, s2):
    wid = lax.axis_index("s") * NC + lax.axis_index("c")
    base = wid * RW
    pltpu.sync_copy(idx_hbm.at[pl.ds(base, RW)], idx_v)

    def chunk(j, carry):
        off = j * CH
        ids = idx_v.at[pl.ds(off, CH)]
        c1 = pltpu.async_copy(kv_hbm.at[ids], kvb, s1)
        c2 = pltpu.async_copy(e2_hbm.at[ids], eb, s2)
        c1.wait()
        c2.wait()
        pltpu.sync_copy(kvb, kvg_hbm.at[pl.ds(base + off, CH)])
        pltpu.sync_copy(eb, eg_hbm.at[pl.ds(base + off, CH)])
        return carry

    lax.fori_loop(0, NCH, chunk, 0)


@functools.cache
def _sc_gather():
    return pl.kernel(
        _sc_gather_body,
        out_type=(
            jax.ShapeDtypeStruct((ROWS_TOTAL, D2), jnp.float32),
            jax.ShapeDtypeStruct((ROWS_TOTAL, D2), jnp.float32),
        ),
        mesh=plsc.VectorSubcoreMesh(core_axis_name="c", subcore_axis_name="s",
                                    num_cores=NC, num_subcores=NS),
        scratch_types=[
            pltpu.VMEM((RW,), jnp.int32),
            pltpu.VMEM((CH, D2), jnp.float32),
            pltpu.VMEM((CH, D2), jnp.float32),
            pltpu.SemaphoreType.DMA,
            pltpu.SemaphoreType.DMA,
        ],
    )


def kernel(features, xyz, W1, b1, Wq, Wk, Wv, Wd1, bd1, Wd2, bd2, W2, b2):
    f32 = jnp.float32
    wq = W1 @ Wq
    wk = W1 @ Wk
    wv = W1 @ Wv
    bq = (b1 @ Wq)[None, :]
    bk = (b1 @ Wk)[None, :]
    bv = (b1 @ Wv)[None, :]
    wd1p = jnp.concatenate([Wd1, jnp.zeros((XA - 3, D), f32)], axis=0)

    sq = jnp.sum(xyz * xyz, axis=-1)
    sqc = sq[..., None]
    sqr = sq[:, None, :]
    xyzp = jnp.concatenate([xyz, jnp.zeros((B, N, XA - 3), f32)], axis=-1)
    rhs = jnp.transpose(xyzp, (0, 2, 1))

    q_full, kv_flat, e2_flat = pl.pallas_call(
        _proj_body,
        grid=(B,),
        in_specs=[
            pl.BlockSpec((1, N, D), lambda b: (b, 0, 0)),
            pl.BlockSpec((1, N, XA), lambda b: (b, 0, 0)),
            pl.BlockSpec((D, D), lambda b: (0, 0)),
            pl.BlockSpec((1, D), lambda b: (0, 0)),
            pl.BlockSpec((D, D), lambda b: (0, 0)),
            pl.BlockSpec((1, D), lambda b: (0, 0)),
            pl.BlockSpec((D, D), lambda b: (0, 0)),
            pl.BlockSpec((1, D), lambda b: (0, 0)),
            pl.BlockSpec((XA, D), lambda b: (0, 0)),
        ],
        out_specs=[
            pl.BlockSpec((1, N, D), lambda b: (b, 0, 0)),
            pl.BlockSpec((N, D2), lambda b: (b, 0)),
            pl.BlockSpec((N, D2), lambda b: (b, 0)),
        ],
        out_shape=[
            jax.ShapeDtypeStruct((B, N, D), f32),
            jax.ShapeDtypeStruct((B * N, D2), f32),
            jax.ShapeDtypeStruct((B * N, D2), f32),
        ],
    )(features, xyzp, wq, bq, wk, bk, wv, bv, wd1p)

    iota_row = jnp.arange(N, dtype=f32)[None, None, :]
    knn_idx = pl.pallas_call(
        _knn_body,
        grid=(B, NT),
        in_specs=[
            pl.BlockSpec((1, R, XA), lambda b, i: (b, i, 0)),
            pl.BlockSpec((1, XA, N), lambda b, i: (b, 0, 0)),
            pl.BlockSpec((1, R, 1), lambda b, i: (b, i, 0)),
            pl.BlockSpec((1, 1, N), lambda b, i: (b, 0, 0)),
            pl.BlockSpec((1, 1, N), lambda b, i: (0, 0, 0)),
        ],
        out_specs=pl.BlockSpec((1, R, K), lambda b, i: (b, i, 0)),
        out_shape=jax.ShapeDtypeStruct((B, N, K), jnp.int32),
    )(xyzp, rhs, sqc, sqr, iota_row)

    idx_flat = knn_idx.reshape(ROWS_TOTAL)
    kvg, eg = _sc_gather()(idx_flat, kv_flat, e2_flat)

    res = pl.pallas_call(
        _attn_body,
        grid=(B, NT),
        in_specs=[
            pl.BlockSpec((1, R, D), lambda b, i: (b, i, 0)),
            pl.BlockSpec((R * K, D2), lambda b, i: (b * NT + i, 0)),
            pl.BlockSpec((R * K, D2), lambda b, i: (b * NT + i, 0)),
            pl.BlockSpec((1, R, XA), lambda b, i: (b, i, 0)),
            pl.BlockSpec((1, R, D), lambda b, i: (b, i, 0)),
            pl.BlockSpec((XA, D), lambda b, i: (0, 0)),
            pl.BlockSpec((1, D), lambda b, i: (0, 0)),
            pl.BlockSpec((D, D), lambda b, i: (0, 0)),
            pl.BlockSpec((1, D), lambda b, i: (0, 0)),
            pl.BlockSpec((D, D), lambda b, i: (0, 0)),
            pl.BlockSpec((1, D), lambda b, i: (0, 0)),
        ],
        out_specs=pl.BlockSpec((1, R, D), lambda b, i: (b, i, 0)),
        out_shape=jax.ShapeDtypeStruct((B, N, D), f32),
    )(q_full, kvg, eg, xyzp, features,
      wd1p, bd1[None, :], Wd2, bd2[None, :], W2, b2[None, :])

    return jnp.transpose(res, (0, 2, 1))

# --- scband reference (transcript-rebuilt; emitter-appended) ---
"""Pipeline reference for scband-transformer-block-m-17755394801893 (READ-ONLY COPY).

The authoritative reference and input builder live on the scoring server;
editing this copy changes nothing except your own understanding.
"""

import jax, jax.numpy as jnp
import numpy as np

B, N, D_POINTS, D_MODEL, K = 4, 4096, 64, 64, 16


def _index_points(points, idx):
    # points: [B, N, C], idx: [B, S, K] -> [B, S, K, C]
    return jax.vmap(lambda p, i: p[i])(points, idx)


def setup_inputs(seed: int = 0) -> dict:
    key = jax.random.key(seed)
    ks = jax.random.split(key, 16)
    s = 0.05
    inp = {}
    inp["features"] = jax.random.normal(ks[0], (B, N, D_POINTS), dtype=jnp.float32)
    inp["xyz"] = jax.random.uniform(ks[1], (B, N, 3), dtype=jnp.float32)
    inp["W1"] = jax.random.normal(ks[2], (D_POINTS, D_MODEL), dtype=jnp.float32) * s
    inp["b1"] = jnp.zeros((D_MODEL,), dtype=jnp.float32)
    inp["Wq"] = jax.random.normal(ks[3], (D_MODEL, D_MODEL), dtype=jnp.float32) * s
    inp["Wk"] = jax.random.normal(ks[4], (D_MODEL, D_MODEL), dtype=jnp.float32) * s
    inp["Wv"] = jax.random.normal(ks[5], (D_MODEL, D_MODEL), dtype=jnp.float32) * s
    inp["Wd1"] = jax.random.normal(ks[6], (3, D_MODEL), dtype=jnp.float32) * s
    inp["bd1"] = jnp.zeros((D_MODEL,), dtype=jnp.float32)
    inp["Wd2"] = jax.random.normal(ks[7], (D_MODEL, D_MODEL), dtype=jnp.float32) * s
    inp["bd2"] = jnp.zeros((D_MODEL,), dtype=jnp.float32)
    inp["W2"] = jax.random.normal(ks[8], (D_MODEL, D_POINTS), dtype=jnp.float32) * s
    inp["b2"] = jnp.zeros((D_POINTS,), dtype=jnp.float32)
    return inp


def reference(features, xyz, W1, b1, Wq, Wk, Wv, Wd1, bd1, Wd2, bd2, W2, b2):
    # knn_points(xyz, xyz, K, return_nn=True): squared-distance kNN (self included)
    sq = jnp.sum(xyz * xyz, axis=-1)  # [B, N]
    d2 = sq[:, :, None] + sq[:, None, :] - 2.0 * jnp.einsum('bnd,bmd->bnm', xyz, xyz)
    _, knn_idx = jax.lax.top_k(-d2, K)  # [B, N, K] smallest distances
    knn_xyz = _index_points(xyz, knn_idx)  # [B, N, K, 3]

    pre = features
    x = features @ W1 + b1  # fc1
    q = (x @ Wq)[:, :, None, :]  # [B, N, 1, d_model]
    k = _index_points(x @ Wk, knn_idx)  # [B, N, K, d_model]
    v = _index_points(x @ Wv, knn_idx)  # [B, N, K, d_model]

    rel = xyz[:, :, None, :] - knn_xyz  # [B, N, K, 3]
    pos_enc = jax.nn.relu(rel @ Wd1 + bd1) @ Wd2 + bd2  # fc_delta

    attn = jnp.einsum('bnqd,bnkd->bnqk', q, k + pos_enc)
    attn = attn / np.sqrt(k.shape[-1])
    attn = jax.nn.softmax(attn, axis=-1)
    res = jnp.einsum('bnqk,bnkd->bnqd', attn, v + pos_enc)[:, :, 0, :]  # squeeze(2)
    res = res @ W2 + b2 + pre  # fc2 + residual
    return jnp.transpose(res, (0, 2, 1))  # [B, d_points, N]

if __name__ == "__main__":
    import jax
    _d = setup_inputs()
    print(jax.jit(kernel)(*tuple(_d.values())))

</pallas_src>

<mosaic_0001>
#map = affine_map<(d0, d1) -> (0)>
#map1 = affine_map<(d0, d1) -> (0, 0)>
module attributes {stable_mosaic.version = 14 : i64} {
  func.func @_sc_gather_body(%arg0: i32, %arg1: i32, %arg2: memref<262144xi32, #tpu.memory_space<hbm>>, %arg3: memref<16384x128xf32, #tpu.memory_space<hbm>>, %arg4: memref<16384x128xf32, #tpu.memory_space<hbm>>, %arg5: memref<262144x128xf32, #tpu.memory_space<hbm>>, %arg6: memref<262144x128xf32, #tpu.memory_space<hbm>>, %arg7: memref<8192xi32, #tpu.memory_space<vmem>>, %arg8: memref<256x128xf32, #tpu.memory_space<vmem>>, %arg9: memref<256x128xf32, #tpu.memory_space<vmem>>, %arg10: memref<!tpu.dma_semaphore, #tpu.memory_space<semaphore_mem>>, %arg11: memref<!tpu.dma_semaphore, #tpu.memory_space<semaphore_mem>>) attributes {dimension_semantics = [#tpu.dimension_semantics<core_parallel>, #tpu.dimension_semantics<subcore_parallel>], iteration_bounds = array<i64: 2, 16>, scalar_prefetch = 0 : i64, scratch_operands = 5 : i64, tpu.core_type = #tpu.core_type<sc_vector_subcore>, window_params = [{transform_indices = #map}, {transform_indices = #map1}, {transform_indices = #map1}, {transform_indices = #map1}, {transform_indices = #map1}]} {
    %mul3A = arith.constant 2 : i32
    %mul3A_0 = arith.muli %arg1, %mul3A : i32
    %add3A = arith.addi %mul3A_0, %arg0 : i32
    %mul3A_1 = arith.constant 8192 : i32
    %mul3A_2 = arith.muli %add3A, %mul3A_1 : i32
    "tpu.region"() ({
      %run_scoped3A = tpu.sem_alloc : memref<!tpu.dma_semaphore, #tpu.memory_space<semaphore_mem>>
      %dma_start3A = tpu.memref_slice %arg2[%mul3A_2] : memref<262144xi32, #tpu.memory_space<hbm>> -> memref<8192xi32, #tpu.memory_space<hbm>>
      %dma_start3A_8 = tpu.memref_slice %arg2[%mul3A_2] : memref<262144xi32, #tpu.memory_space<hbm>> -> memref<8192xi32, #tpu.memory_space<hbm>>
      tpu.enqueue_dma source(%dma_start3A_8 : memref<8192xi32, #tpu.memory_space<hbm>>) target(%arg7 : memref<8192xi32, #tpu.memory_space<vmem>>) target_semaphore(%run_scoped3A : memref<!tpu.dma_semaphore, #tpu.memory_space<semaphore_mem>>)
      %dma_wait3A = tpu.memref_slice %arg2[%mul3A_2] : memref<262144xi32, #tpu.memory_space<hbm>> -> memref<8192xi32, #tpu.memory_space<hbm>>
      %dma_wait3A_9 = tpu.memref_slice %arg2[%mul3A_2] : memref<262144xi32, #tpu.memory_space<hbm>> -> memref<8192xi32, #tpu.memory_space<hbm>>
      tpu.wait_dma2 semaphore(%run_scoped3A : memref<!tpu.dma_semaphore, #tpu.memory_space<semaphore_mem>>) src(%dma_wait3A_9 : memref<8192xi32, #tpu.memory_space<hbm>>) dst(%arg7 : memref<8192xi32, #tpu.memory_space<vmem>>)
      tpu.yield
    }) : () -> ()
    %scan3A = arith.constant 0 : i32
    %scan3A_3 = arith.constant 0 : i32
    %scan3A_4 = arith.constant 32 : i32
    %scan3A_5 = arith.addi %scan3A_3, %scan3A_4 : i32
    %scan3A_6 = arith.constant 1 : i32
    scf.for %scan3A_8 = %scan3A_3 to %scan3A_5 step %scan3A_6  : i32 {
      %mul3A_9 = arith.constant 256 : i32
      %mul3A_10 = arith.muli %scan3A_8, %mul3A_9 : i32
      %dma_start3A = tpu.memref_slice %arg7[%mul3A_10] : memref<8192xi32, #tpu.memory_space<vmem>> -> memref<256xi32, #tpu.memory_space<vmem>>
      %dma_start3A_11 = arith.constant 0 : i32
      %dma_start3A_12 = arith.constant 0 : i32
      %dma_start3A_13 = tpu.memref_slice %arg3[%dma_start3A_11, %dma_start3A_12] : memref<16384x128xf32, #tpu.memory_space<hbm>> -> memref<16384x128xf32, #tpu.memory_space<hbm>>
      tpu.enqueue_indirect_dma source(%dma_start3A_13 : memref<16384x128xf32, #tpu.memory_space<hbm>>) target(%arg8 : memref<256x128xf32, #tpu.memory_space<vmem>>) offsets(%dma_start3A : memref<256xi32, #tpu.memory_space<vmem>>) semaphore(%arg10 : memref<!tpu.dma_semaphore, #tpu.memory_space<semaphore_mem>>)
      %dma_start3A_14 = tpu.memref_slice %arg7[%mul3A_10] : memref<8192xi32, #tpu.memory_space<vmem>> -> memref<256xi32, #tpu.memory_space<vmem>>
      %dma_start3A_15 = arith.constant 0 : i32
      %dma_start3A_16 = arith.constant 0 : i32
      %dma_start3A_17 = tpu.memref_slice %arg4[%dma_start3A_15, %dma_start3A_16] : memref<16384x128xf32, #tpu.memory_space<hbm>> -> memref<16384x128xf32, #tpu.memory_space<hbm>>
      tpu.enqueue_indirect_dma source(%dma_start3A_17 : memref<16384x128xf32, #tpu.memory_space<hbm>>) target(%arg9 : memref<256x128xf32, #tpu.memory_space<vmem>>) offsets(%dma_start3A_14 : memref<256xi32, #tpu.memory_space<vmem>>) semaphore(%arg11 : memref<!tpu.dma_semaphore, #tpu.memory_space<semaphore_mem>>)
      %dma_wait3A = tpu.memref_slice %arg7[%mul3A_10] : memref<8192xi32, #tpu.memory_space<vmem>> -> memref<256xi32, #tpu.memory_space<vmem>>
      %dma_wait3A_18 = arith.constant 0 : i32
      %dma_wait3A_19 = arith.constant 0 : i32
      %dma_wait3A_20 = tpu.memref_slice %arg3[%dma_wait3A_18, %dma_wait3A_19] : memref<16384x128xf32, #tpu.memory_space<hbm>> -> memref<16384x128xf32, #tpu.memory_space<hbm>>
      tpu.wait_indirect_dma semaphore(%arg10 : memref<!tpu.dma_semaphore, #tpu.memory_space<semaphore_mem>>) src(%dma_wait3A_20 : memref<16384x128xf32, #tpu.memory_space<hbm>>) dst(%arg8 : memref<256x128xf32, #tpu.memory_space<vmem>>)
      %dma_wait3A_21 = tpu.memref_slice %arg7[%mul3A_10] : memref<8192xi32, #tpu.memory_space<vmem>> -> memref<256xi32, #tpu.memory_space<vmem>>
      %dma_wait3A_22 = arith.constant 0 : i32
      %dma_wait3A_23 = arith.constant 0 : i32
      %dma_wait3A_24 = tpu.memref_slice %arg4[%dma_wait3A_22, %dma_wait3A_23] : memref<16384x128xf32, #tpu.memory_space<hbm>> -> memref<16384x128xf32, #tpu.memory_space<hbm>>
      tpu.wait_indirect_dma semaphore(%arg11 : memref<!tpu.dma_semaphore, #tpu.memory_space<semaphore_mem>>) src(%dma_wait3A_24 : memref<16384x128xf32, #tpu.memory_space<hbm>>) dst(%arg9 : memref<256x128xf32, #tpu.memory_space<vmem>>)
      %add3A_25 = arith.addi %mul3A_2, %mul3A_10 : i32
      "tpu.region"() ({
        %run_scoped3A = tpu.sem_alloc : memref<!tpu.dma_semaphore, #tpu.memory_space<semaphore_mem>>
        %dma_start3A_27 = arith.constant 0 : i32
        %dma_start3A_28 = tpu.memref_slice %arg5[%add3A_25, %dma_start3A_27] : memref<262144x128xf32, #tpu.memory_space<hbm>> -> memref<256x128xf32, #tpu.memory_space<hbm>>
        %dma_start3A_29 = arith.constant 0 : i32
        %dma_start3A_30 = tpu.memref_slice %arg5[%add3A_25, %dma_start3A_29] : memref<262144x128xf32, #tpu.memory_space<hbm>> -> memref<256x128xf32, #tpu.memory_space<hbm>>
        tpu.enqueue_dma source(%arg8 : memref<256x128xf32, #tpu.memory_space<vmem>>) target(%dma_start3A_30 : memref<256x128xf32, #tpu.memory_space<hbm>>) target_semaphore(%run_scoped3A : memref<!tpu.dma_semaphore, #tpu.memory_space<semaphore_mem>>)
        %dma_wait3A_31 = arith.constant 0 : i32
        %dma_wait3A_32 = tpu.memref_slice %arg5[%add3A_25, %dma_wait3A_31] : memref<262144x128xf32, #tpu.memory_space<hbm>> -> memref<256x128xf32, #tpu.memory_space<hbm>>
        %dma_wait3A_33 = arith.constant 0 : i32
        %dma_wait3A_34 = tpu.memref_slice %arg5[%add3A_25, %dma_wait3A_33] : memref<262144x128xf32, #tpu.memory_space<hbm>> -> memref<256x128xf32, #tpu.memory_space<hbm>>
        tpu.wait_dma2 semaphore(%run_scoped3A : memref<!tpu.dma_semaphore, #tpu.memory_space<semaphore_mem>>) src(%arg8 : memref<256x128xf32, #tpu.memory_space<vmem>>) dst(%dma_wait3A_34 : memref<256x128xf32, #tpu.memory_space<hbm>>)
        tpu.yield
      }) : () -> ()
      %add3A_26 = arith.addi %mul3A_2, %mul3A_10 : i32
      "tpu.region"() ({
        %run_scoped3A = tpu.sem_alloc : memref<!tpu.dma_semaphore, #tpu.memory_space<semaphore_mem>>
        %dma_start3A_27 = arith.constant 0 : i32
        %dma_start3A_28 = tpu.memref_slice %arg6[%add3A_26, %dma_start3A_27] : memref<262144x128xf32, #tpu.memory_space<hbm>> -> memref<256x128xf32, #tpu.memory_space<hbm>>
        %dma_start3A_29 = arith.constant 0 : i32
        %dma_start3A_30 = tpu.memref_slice %arg6[%add3A_26, %dma_start3A_29] : memref<262144x128xf32, #tpu.memory_space<hbm>> -> memref<256x128xf32, #tpu.memory_space<hbm>>
        tpu.enqueue_dma source(%arg9 : memref<256x128xf32, #tpu.memory_space<vmem>>) target(%dma_start3A_30 : memref<256x128xf32, #tpu.memory_space<hbm>>) target_semaphore(%run_scoped3A : memref<!tpu.dma_semaphore, #tpu.memory_space<semaphore_mem>>)
        %dma_wait3A_31 = arith.constant 0 : i32
        %dma_wait3A_32 = tpu.memref_slice %arg6[%add3A_26, %dma_wait3A_31] : memref<262144x128xf32, #tpu.memory_space<hbm>> -> memref<256x128xf32, #tpu.memory_space<hbm>>
        %dma_wait3A_33 = arith.constant 0 : i32
        %dma_wait3A_34 = tpu.memref_slice %arg6[%add3A_26, %dma_wait3A_33] : memref<262144x128xf32, #tpu.memory_space<hbm>> -> memref<256x128xf32, #tpu.memory_space<hbm>>
        tpu.wait_dma2 semaphore(%run_scoped3A : memref<!tpu.dma_semaphore, #tpu.memory_space<semaphore_mem>>) src(%arg9 : memref<256x128xf32, #tpu.memory_space<vmem>>) dst(%dma_wait3A_34 : memref<256x128xf32, #tpu.memory_space<hbm>>)
        tpu.yield
      }) : () -> ()
    }
    %scan3A_7 = arith.constant 32 : i32
    return
  }
}

module attributes {stable_mosaic.version = 14 : i64} {
  func.func @_knn_body(%arg0: i32, %arg1: i32, %arg2: memref<1x256x8xf32, #tpu.memory_space<vmem>>, %arg3: memref<1x8x4096xf32, #tpu.memory_space<vmem>>, %arg4: memref<1x256x1xf32, #tpu.memory_space<vmem>>, %arg5: memref<1x1x4096xf32, #tpu.memory_space<vmem>>, %arg6: memref<1x1x4096xf32, #tpu.memory_space<vmem>>, %arg7: memref<1x256x16xi32, #tpu.memory_space<vmem>>) attributes {dimension_semantics = [#tpu.dimension_semantics<arbitrary>, #tpu.dimension_semantics<arbitrary>], iteration_bounds = array<i64: 4, 16>, scalar_prefetch = 0 : i64, scratch_operands = 0 : i64, tpu.core_type = #tpu.core_type<tc>, window_params = [{transform_indices = @transform_0, window_bounds = array<i64: 1, 256, 8>}, {transform_indices = @transform_1, window_bounds = array<i64: 1, 8, 4096>}, {transform_indices = @transform_2, window_bounds = array<i64: 1, 256, 1>}, {transform_indices = @transform_3, window_bounds = array<i64: 1, 1, 4096>}, {pipeline_mode = #tpu.pipeline_mode<synchronous>, transform_indices = @transform_4, window_bounds = array<i64: 1, 1, 4096>}, {transform_indices = @transform_5, window_bounds = array<i64: 1, 256, 16>}]} {
    %get3A = arith.constant 0 : index
    %get3A_0 = arith.constant 0 : index
    %get3A_1 = arith.constant 0 : index
    %get3A_2 = vector.load %arg2[%get3A, %get3A_0, %get3A_1] : memref<1x256x8xf32, #tpu.memory_space<vmem>>, vector<1x256x8xf32>
    %get3A_3 = vector.shape_cast %get3A_2 : vector<1x256x8xf32> to vector<256x8xf32>
    %get3A_4 = arith.constant 0 : index
    %get3A_5 = arith.constant 0 : index
    %get3A_6 = arith.constant 0 : index
    %get3A_7 = vector.load %arg3[%get3A_4, %get3A_5, %get3A_6] : memref<1x8x4096xf32, #tpu.memory_space<vmem>>, vector<1x8x4096xf32>
    %get3A_8 = vector.shape_cast %get3A_7 : vector<1x8x4096xf32> to vector<8x4096xf32>
    %dot_general3A = arith.constant dense<0.000000e+00> : vector<256x4096xf32>
    %dot_general3A_9 = tpu.matmul %get3A_3, %get3A_8, %dot_general3A {dimension_numbers = #tpu.dot_dimension_numbers<[1], [0], [0], [1], [0, 0, 1, 1], [], []>, transpose_lhs_hint = false} : vector<256x8xf32>, vector<8x4096xf32>, vector<256x4096xf32> -> vector<256x4096xf32>
    %get3A_10 = arith.constant 0 : index
    %get3A_11 = arith.constant 0 : index
    %get3A_12 = arith.constant 0 : index
    %get3A_13 = vector.load %arg4[%get3A_10, %get3A_11, %get3A_12] : memref<1x256x1xf32, #tpu.memory_space<vmem>>, vector<1x256x1xf32>
    %get3A_14 = vector.shape_cast %get3A_13 : vector<1x256x1xf32> to vector<256x1xf32>
    %get3A_15 = arith.constant 0 : index
    %get3A_16 = arith.constant 0 : index
    %get3A_17 = arith.constant 0 : index
    %get3A_18 = vector.load %arg5[%get3A_15, %get3A_16, %get3A_17] : memref<1x1x4096xf32, #tpu.memory_space<vmem>>, vector<1x1x4096xf32>
    %get3A_19 = vector.shape_cast %get3A_18 : vector<1x1x4096xf32> to vector<1x4096xf32>
    %add3A = vector.broadcast %get3A_14 : vector<256x1xf32> to vector<256x4096xf32>
    %add3A_20 = vector.broadcast %get3A_19 : vector<1x4096xf32> to vector<256x4096xf32>
    %add3A_21 = arith.addf %add3A, %add3A_20 : vector<256x4096xf32>
    %mul3A = arith.constant 2.000000e+00 : f32
    %mul3A_22 = vector.broadcast %mul3A : f32 to vector<256x4096xf32>
    %mul3A_23 = arith.mulf %mul3A_22, %dot_general3A_9 : vector<256x4096xf32>
    %sub3A = arith.subf %add3A_21, %mul3A_23 : vector<256x4096xf32>
    %get3A_24 = arith.constant 0 : index
    %get3A_25 = arith.constant 0 : index
    %get3A_26 = arith.constant 0 : index
    %get3A_27 = vector.load %arg6[%get3A_24, %get3A_25, %get3A_26] : memref<1x1x4096xf32, #tpu.memory_space<vmem>>, vector<1x1x4096xf32>
    %get3A_28 = vector.shape_cast %get3A_27 : vector<1x1x4096xf32> to vector<1x4096xf32>
    %reduce_min3A = arith.constant dense<0x7F800000> : vector<256xf32>
    %reduce_min3A_29 = vector.multi_reduction <minimumf>, %sub3A, %reduce_min3A [1] : vector<256x4096xf32> to vector<256xf32>
    %broadcast_in_dim3A = vector.shape_cast %reduce_min3A_29 : vector<256xf32> to vector<256x1xf32>
    %le3A = vector.broadcast %broadcast_in_dim3A : vector<256x1xf32> to vector<256x4096xf32>
    %le3A_30 = arith.cmpf ole, %sub3A, %le3A : vector<256x4096xf32>
    %jit3A = arith.constant 4.096000e+03 : f32
    %broadcast_in_dim3A_31 = vector.shape_cast %get3A_28 : vector<1x4096xf32> to vector<1x4096xf32>
    %broadcast_in_dim3A_32 = vector.broadcast %broadcast_in_dim3A_31 : vector<1x4096xf32> to vector<256x4096xf32>
    %broadcast_in_dim3A_33 = vector.broadcast %jit3A : f32 to vector<256x4096xf32>
    %select_n3A = arith.select %le3A_30, %broadcast_in_dim3A_32, %broadcast_in_dim3A_33 : vector<256x4096xi1>, vector<256x4096xf32>
    %reduce_min3A_34 = arith.constant dense<0x7F800000> : vector<256xf32>
    %reduce_min3A_35 = vector.multi_reduction <minimumf>, %select_n3A, %reduce_min3A_34 [1] : vector<256x4096xf32> to vector<256xf32>
    %broadcast_in_dim3A_36 = vector.shape_cast %reduce_min3A_35 : vector<256xf32> to vector<256x1xf32>
    %eq3A = vector.broadcast %get3A_28 : vector<1x4096xf32> to vector<256x4096xf32>
    %eq3A_37 = vector.broadcast %broadcast_in_dim3A_36 : vector<256x1xf32> to vector<256x4096xf32>
    %eq3A_38 = arith.cmpf oeq, %eq3A, %eq3A_37 : vector<256x4096xf32>
    %jit3A_39 = arith.constant 0x7F800000 : f32
    %broadcast_in_dim3A_40 = vector.broadcast %jit3A_39 : f32 to vector<256x4096xf32>
    %select_n3A_41 = arith.select %eq3A_38, %broadcast_in_dim3A_40, %sub3A : vector<256x4096xi1>, vector<256x4096xf32>
    %reduce_min3A_42 = arith.constant dense<0x7F800000> : vector<256xf32>
    %reduce_min3A_43 = vector.multi_reduction <minimumf>, %select_n3A_41, %reduce_min3A_42 [1] : vector<256x4096xf32> to vector<256xf32>
    %broadcast_in_dim3A_44 = vector.shape_cast %reduce_min3A_43 : vector<256xf32> to vector<256x1xf32>
    %le3A_45 = vector.broadcast %broadcast_in_dim3A_44 : vector<256x1xf32> to vector<256x4096xf32>
    %le3A_46 = arith.cmpf ole, %select_n3A_41, %le3A_45 : vector<256x4096xf32>
    %jit3A_47 = arith.constant 4.096000e+03 : f32
    %broadcast_in_dim3A_48 = vector.shape_cast %get3A_28 : vector<1x4096xf32> to vector<1x4096xf32>
    %broadcast_in_dim3A_49 = vector.broadcast %broadcast_in_dim3A_48 : vector<1x4096xf32> to vector<256x4096xf32>
    %broadcast_in_dim3A_50 = vector.broadcast %jit3A_47 : f32 to vector<256x4096xf32>
    %select_n3A_51 = arith.select %le3A_46, %broadcast_in_dim3A_49, %broadcast_in_dim3A_50 : vector<256x4096xi1>, vector<256x4096xf32>
    %reduce_min3A_52 = arith.constant dense<0x7F800000> : vector<256xf32>
    %reduce_min3A_53 = vector.multi_reduction <minimumf>, %select_n3A_51, %reduce_min3A_52 [1] : vector<256x4096xf32> to vector<256xf32>
    %broadcast_in_dim3A_54 = vector.shape_cast %reduce_min3A_53 : vector<256xf32> to vector<256x1xf32>
    %eq3A_55 = vector.broadcast %get3A_28 : vector<1x4096xf32> to vector<256x4096xf32>
    %eq3A_56 = vector.broadcast %broadcast_in_dim3A_54 : vector<256x1xf32> to vector<256x4096xf32>
    %eq3A_57 = arith.cmpf oeq, %eq3A_55, %eq3A_56 : vector<256x4096xf32>
    %jit3A_58 = arith.constant 0x7F800000 : f32
    %broadcast_in_dim3A_59 = vector.broadcast %jit3A_58 : f32 to vector<256x4096xf32>
    %select_n3A_60 = arith.select %eq3A_57, %broadcast_in_dim3A_59, %select_n3A_41 : vector<256x4096xi1>, vector<256x4096xf32>
    %reduce_min3A_61 = arith.constant dense<0x7F800000> : vector<256xf32>
    %reduce_min3A_62 = vector.multi_reduction <minimumf>, %select_n3A_60, %reduce_min3A_61 [1] : vector<256x4096xf32> to vector<256xf32>
    %broadcast_in_dim3A_63 = vector.shape_cast %reduce_min3A_62 : vector<256xf32> to vector<256x1xf32>
    %le3A_64 = vector.broadcast %broadcast_in_dim3A_63 : vector<256x1xf32> to vector<256x4096xf32>
    %le3A_65 = arith.cmpf ole, %select_n3A_60, %le3A_64 : vector<256x4096xf32>
    %jit3A_66 = arith.constant 4.096000e+03 : f32
    %broadcast_in_dim3A_67 = vector.shape_cast %get3A_28 : vector<1x4096xf32> to vector<1x4096xf32>
    %broadcast_in_dim3A_68 = vector.broadcast %broadcast_in_dim3A_67 : vector<1x4096xf32> to vector<256x4096xf32>
    %broadcast_in_dim3A_69 = vector.broadcast %jit3A_66 : f32 to vector<256x4096xf32>
    %select_n3A_70 = arith.select %le3A_65, %broadcast_in_dim3A_68, %broadcast_in_dim3A_69 : vector<256x4096xi1>, vector<256x4096xf32>
    %reduce_min3A_71 = arith.constant dense<0x7F800000> : vector<256xf32>
    %reduce_min3A_72 = vector.multi_reduction <minimumf>, %select_n3A_70, %reduce_min3A_71 [1] : vector<256x4096xf32> to vector<256xf32>
    %broadcast_in_dim3A_73 = vector.shape_cast %reduce_min3A_72 : vector<256xf32> to vector<256x1xf32>
    %eq3A_74 = vector.broadcast %get3A_28 : vector<1x4096xf32> to vector<256x4096xf32>
    %eq3A_75 = vector.broadcast %broadcast_in_dim3A_73 : vector<256x1xf32> to vector<256x4096xf32>
    %eq3A_76 = arith.cmpf oeq, %eq3A_74, %eq3A_75 : vector<256x4096xf32>
    %jit3A_77 = arith.constant 0x7F800000 : f32
    %broadcast_in_dim3A_78 = vector.broadcast %jit3A_77 : f32 to vector<256x4096xf32>
    %select_n3A_79 = arith.select %eq3A_76, %broadcast_in_dim3A_78, %select_n3A_60 : vector<256x4096xi1>, vector<256x4096xf32>
    %reduce_min3A_80 = arith.constant dense<0x7F800000> : vector<256xf32>
    %reduce_min3A_81 = vector.multi_reduction <minimumf>, %select_n3A_79, %reduce_min3A_80 [1] : vector<256x4096xf32> to vector<256xf32>
    %broadcast_in_dim3A_82 = vector.shape_cast %reduce_min3A_81 : vector<256xf32> to vector<256x1xf32>
    %le3A_83 = vector.broadcast %broadcast_in_dim3A_82 : vector<256x1xf32> to vector<256x4096xf32>
    %le3A_84 = arith.cmpf ole, %select_n3A_79, %le3A_83 : vector<256x4096xf32>
    %jit3A_85 = arith.constant 4.096000e+03 : f32
    %broadcast_in_dim3A_86 = vector.shape_cast %get3A_28 : vector<1x4096xf32> to vector<1x4096xf32>
    %broadcast_in_dim3A_87 = vector.broadcast %broadcast_in_dim3A_86 : vector<1x4096xf32> to vector<256x4096xf32>
    %broadcast_in_dim3A_88 = vector.broadcast %jit3A_85 : f32 to vector<256x4096xf32>
    %select_n3A_89 = arith.select %le3A_84, %broadcast_in_dim3A_87, %broadcast_in_dim3A_88 : vector<256x4096xi1>, vector<256x4096xf32>
    %reduce_min3A_90 = arith.constant dense<0x7F800000> : vector<256xf32>
    %reduce_min3A_91 = vector.multi_reduction <minimumf>, %select_n3A_89, %reduce_min3A_90 [1] : vector<256x4096xf32> to vector<256xf32>
    %broadcast_in_dim3A_92 = vector.shape_cast %reduce_min3A_91 : vector<256xf32> to vector<256x1xf32>
    %eq3A_93 = vector.broadcast %get3A_28 : vector<1x4096xf32> to vector<256x4096xf32>
    %eq3A_94 = vector.broadcast %broadcast_in_dim3A_92 : vector<256x1xf32> to vector<256x4096xf32>
    %eq3A_95 = arith.cmpf oeq, %eq3A_93, %eq3A_94 : vector<256x4096xf32>
    %jit3A_96 = arith.constant 0x7F800000 : f32
    %broadcast_in_dim3A_97 = vector.broadcast %jit3A_96 : f32 to vector<256x4096xf32>
    %select_n3A_98 = arith.select %eq3A_95, %broadcast_in_dim3A_97, %select_n3A_79 : vector<256x4096xi1>, vector<256x4096xf32>
    %reduce_min3A_99 = arith.constant dense<0x7F800000> : vector<256xf32>
    %reduce_min3A_100 = vector.multi_reduction <minimumf>, %select_n3A_98, %reduce_min3A_99 [1] : vector<256x4096xf32> to vector<256xf32>
    %broadcast_in_dim3A_101 = vector.shape_cast %reduce_min3A_100 : vector<256xf32> to vector<256x1xf32>
    %le3A_102 = vector.broadcast %broadcast_in_dim3A_101 : vector<256x1xf32> to vector<256x4096xf32>
    %le3A_103 = arith.cmpf ole, %select_n3A_98, %le3A_102 : vector<256x4096xf32>
    %jit3A_104 = arith.constant 4.096000e+03 : f32
    %broadcast_in_dim3A_105 = vector.shape_cast %get3A_28 : vector<1x4096xf32> to vector<1x4096xf32>
    %broadcast_in_dim3A_106 = vector.broadcast %broadcast_in_dim3A_105 : vector<1x4096xf32> to vector<256x4096xf32>
    %broadcast_in_dim3A_107 = vector.broadcast %jit3A_104 : f32 to vector<256x4096xf32>
    %select_n3A_108 = arith.select %le3A_103, %broadcast_in_dim3A_106, %broadcast_in_dim3A_107 : vector<256x4096xi1>, vector<256x4096xf32>
    %reduce_min3A_109 = arith.constant dense<0x7F800000> : vector<256xf32>
    %reduce_min3A_110 = vector.multi_reduction <minimumf>, %select_n3A_108, %reduce_min3A_109 [1] : vector<256x4096xf32> to vector<256xf32>
    %broadcast_in_dim3A_111 = vector.shape_cast %reduce_min3A_110 : vector<256xf32> to vector<256x1xf32>
    %eq3A_112 = vector.broadcast %get3A_28 : vector<1x4096xf32> to vector<256x4096xf32>
    %eq3A_113 = vector.broadcast %broadcast_in_dim3A_111 : vector<256x1xf32> to vector<256x4096xf32>
    %eq3A_114 = arith.cmpf oeq, %eq3A_112, %eq3A_113 : vector<256x4096xf32>
    %jit3A_115 = arith.constant 0x7F800000 : f32
    %broadcast_in_dim3A_116 = vector.broadcast %jit3A_115 : f32 to vector<256x4096xf32>
    %select_n3A_117 = arith.select %eq3A_114, %broadcast_in_dim3A_116, %select_n3A_98 : vector<256x4096xi1>, vector<256x4096xf32>
    %reduce_min3A_118 = arith.constant dense<0x7F800000> : vector<256xf32>
    %reduce_min3A_119 = vector.multi_reduction <minimumf>, %select_n3A_117, %reduce_min3A_118 [1] : vector<256x4096xf32> to vector<256xf32>
    %broadcast_in_dim3A_120 = vector.shape_cast %reduce_min3A_119 : vector<256xf32> to vector<256x1xf32>
    %le3A_121 = vector.broadcast %broadcast_in_dim3A_120 : vector<256x1xf32> to vector<256x4096xf32>
    %le3A_122 = arith.cmpf ole, %select_n3A_117, %le3A_121 : vector<256x4096xf32>
    %jit3A_123 = arith.constant 4.096000e+03 : f32
    %broadcast_in_dim3A_124 = vector.shape_cast %get3A_28 : vector<1x4096xf32> to vector<1x4096xf32>
    %broadcast_in_dim3A_125 = vector.broadcast %broadcast_in_dim3A_124 : vector<1x4096xf32> to vector<256x4096xf32>
    %broadcast_in_dim3A_126 = vector.broadcast %jit3A_123 : f32 to vector<256x4096xf32>
    %select_n3A_127 = arith.select %le3A_122, %broadcast_in_dim3A_125, %broadcast_in_dim3A_126 : vector<256x4096xi1>, vector<256x4096xf32>
    %reduce_min3A_128 = arith.constant dense<0x7F800000> : vector<256xf32>
    %reduce_min3A_129 = vector.multi_reduction <minimumf>, %select_n3A_127, %reduce_min3A_128 [1] : vector<256x4096xf32> to vector<256xf32>
    %broadcast_in_dim3A_130 = vector.shape_cast %reduce_min3A_129 : vector<256xf32> to vector<256x1xf32>
    %eq3A_131 = vector.broadcast %get3A_28 : vector<1x4096xf32> to vector<256x4096xf32>
    %eq3A_132 = vector.broadcast %broadcast_in_dim3A_130 : vector<256x1xf32> to vector<256x4096xf32>
    %eq3A_133 = arith.cmpf oeq, %eq3A_131, %eq3A_132 : vector<256x4096xf32>
    %jit3A_134 = arith.constant 0x7F800000 : f32
    %broadcast_in_dim3A_135 = vector.broadcast %jit3A_134 : f32 to vector<256x4096xf32>
    %select_n3A_136 = arith.select %eq3A_133, %broadcast_in_dim3A_135, %select_n3A_117 : vector<256x4096xi1>, vector<256x4096xf32>
    %reduce_min3A_137 = arith.constant dense<0x7F800000> : vector<256xf32>
    %reduce_min3A_138 = vector.multi_reduction <minimumf>, %select_n3A_136, %reduce_min3A_137 [1] : vector<256x4096xf32> to vector<256xf32>
    %broadcast_in_dim3A_139 = vector.shape_cast %reduce_min3A_138 : vector<256xf32> to vector<256x1xf32>
    %le3A_140 = vector.broadcast %broadcast_in_dim3A_139 : vector<256x1xf32> to vector<256x4096xf32>
    %le3A_141 = arith.cmpf ole, %select_n3A_136, %le3A_140 : vector<256x4096xf32>
    %jit3A_142 = arith.constant 4.096000e+03 : f32
    %broadcast_in_dim3A_143 = vector.shape_cast %get3A_28 : vector<1x4096xf32> to vector<1x4096xf32>
    %broadcast_in_dim3A_144 = vector.broadcast %broadcast_in_dim3A_143 : vector<1x4096xf32> to vector<256x4096xf32>
    %broadcast_in_dim3A_145 = vector.broadcast %jit3A_142 : f32 to vector<256x4096xf32>
    %select_n3A_146 = arith.select %le3A_141, %broadcast_in_dim3A_144, %broadcast_in_dim3A_145 : vector<256x4096xi1>, vector<256x4096xf32>
    %reduce_min3A_147 = arith.constant dense<0x7F800000> : vector<256xf32>
    %reduce_min3A_148 = vector.multi_reduction <minimumf>, %select_n3A_146, %reduce_min3A_147 [1] : vector<256x4096xf32> to vector<256xf32>
    %broadcast_in_dim3A_149 = vector.shape_cast %reduce_min3A_148 : vector<256xf32> to vector<256x1xf32>
    %eq3A_150 = vector.broadcast %get3A_28 : vector<1x4096xf32> to vector<256x4096xf32>
    %eq3A_151 = vector.broadcast %broadcast_in_dim3A_149 : vector<256x1xf32> to vector<256x4096xf32>
    %eq3A_152 = arith.cmpf oeq, %eq3A_150, %eq3A_151 : vector<256x4096xf32>
    %jit3A_153 = arith.constant 0x7F800000 : f32
    %broadcast_in_dim3A_154 = vector.broadcast %jit3A_153 : f32 to vector<256x4096xf32>
    %select_n3A_155 = arith.select %eq3A_152, %broadcast_in_dim3A_154, %select_n3A_136 : vector<256x4096xi1>, vector<256x4096xf32>
    %reduce_min3A_156 = arith.constant dense<0x7F800000> : vector<256xf32>
    %reduce_min3A_157 = vector.multi_reduction <minimumf>, %select_n3A_155, %reduce_min3A_156 [1] : vector<256x4096xf32> to vector<256xf32>
    %broadcast_in_dim3A_158 = vector.shape_cast %reduce_min3A_157 : vector<256xf32> to vector<256x1xf32>
    %le3A_159 = vector.broadcast %broadcast_in_dim3A_158 : vector<256x1xf32> to vector<256x4096xf32>
    %le3A_160 = arith.cmpf ole, %select_n3A_155, %le3A_159 : vector<256x4096xf32>
    %jit3A_161 = arith.constant 4.096000e+03 : f32
    %broadcast_in_dim3A_162 = vector.shape_cast %get3A_28 : vector<1x4096xf32> to vector<1x4096xf32>
    %broadcast_in_dim3A_163 = vector.broadcast %broadcast_in_dim3A_162 : vector<1x4096xf32> to vector<256x4096xf32>
    %broadcast_in_dim3A_164 = vector.broadcast %jit3A_161 : f32 to vector<256x4096xf32>
    %select_n3A_165 = arith.select %le3A_160, %broadcast_in_dim3A_163, %broadcast_in_dim3A_164 : vector<256x4096xi1>, vector<256x4096xf32>
    %reduce_min3A_166 = arith.constant dense<0x7F800000> : vector<256xf32>
    %reduce_min3A_167 = vector.multi_reduction <minimumf>, %select_n3A_165, %reduce_min3A_166 [1] : vector<256x4096xf32> to vector<256xf32>
    %broadcast_in_dim3A_168 = vector.shape_cast %reduce_min3A_167 : vector<256xf32> to vector<256x1xf32>
    %eq3A_169 = vector.broadcast %get3A_28 : vector<1x4096xf32> to vector<256x4096xf32>
    %eq3A_170 = vector.broadcast %broadcast_in_dim3A_168 : vector<256x1xf32> to vector<256x4096xf32>
    %eq3A_171 = arith.cmpf oeq, %eq3A_169, %eq3A_170 : vector<256x4096xf32>
    %jit3A_172 = arith.constant 0x7F800000 : f32
    %broadcast_in_dim3A_173 = vector.broadcast %jit3A_172 : f32 to vector<256x4096xf32>
    %select_n3A_174 = arith.select %eq3A_171, %broadcast_in_dim3A_173, %select_n3A_155 : vector<256x4096xi1>, vector<256x4096xf32>
    %reduce_min3A_175 = arith.constant dense<0x7F800000> : vector<256xf32>
    %reduce_min3A_176 = vector.multi_reduction <minimumf>, %select_n3A_174, %reduce_min3A_175 [1] : vector<256x4096xf32> to vector<256xf32>
    %broadcast_in_dim3A_177 = vector.shape_cast %reduce_min3A_176 : vector<256xf32> to vector<256x1xf32>
    %le3A_178 = vector.broadcast %broadcast_in_dim3A_177 : vector<256x1xf32> to vector<256x4096xf32>
    %le3A_179 = arith.cmpf ole, %select_n3A_174, %le3A_178 : vector<256x4096xf32>
    %jit3A_180 = arith.constant 4.096000e+03 : f32
    %broadcast_in_dim3A_181 = vector.shape_cast %get3A_28 : vector<1x4096xf32> to vector<1x4096xf32>
    %broadcast_in_dim3A_182 = vector.broadcast %broadcast_in_dim3A_181 : vector<1x4096xf32> to vector<256x4096xf32>
    %broadcast_in_dim3A_183 = vector.broadcast %jit3A_180 : f32 to vector<256x4096xf32>
    %select_n3A_184 = arith.select %le3A_179, %broadcast_in_dim3A_182, %broadcast_in_dim3A_183 : vector<256x4096xi1>, vector<256x4096xf32>
    %reduce_min3A_185 = arith.constant dense<0x7F800000> : vector<256xf32>
    %reduce_min3A_186 = vector.multi_reduction <minimumf>, %select_n3A_184, %reduce_min3A_185 [1] : vector<256x4096xf32> to vector<256xf32>
    %broadcast_in_dim3A_187 = vector.shape_cast %reduce_min3A_186 : vector<256xf32> to vector<256x1xf32>
    %eq3A_188 = vector.broadcast %get3A_28 : vector<1x4096xf32> to vector<256x4096xf32>
    %eq3A_189 = vector.broadcast %broadcast_in_dim3A_187 : vector<256x1xf32> to vector<256x4096xf32>
    %eq3A_190 = arith.cmpf oeq, %eq3A_188, %eq3A_189 : vector<256x4096xf32>
    %jit3A_191 = arith.constant 0x7F800000 : f32
    %broadcast_in_dim3A_192 = vector.broadcast %jit3A_191 : f32 to vector<256x4096xf32>
    %select_n3A_193 = arith.select %eq3A_190, %broadcast_in_dim3A_192, %select_n3A_174 : vector<256x4096xi1>, vector<256x4096xf32>
    %reduce_min3A_194 = arith.constant dense<0x7F800000> : vector<256xf32>
    %reduce_min3A_195 = vector.multi_reduction <minimumf>, %select_n3A_193, %reduce_min3A_194 [1] : vector<256x4096xf32> to vector<256xf32>
    %broadcast_in_dim3A_196 = vector.shape_cast %reduce_min3A_195 : vector<256xf32> to vector<256x1xf32>
    %le3A_197 = vector.broadcast %broadcast_in_dim3A_196 : vector<256x1xf32> to vector<256x4096xf32>
    %le3A_198 = arith.cmpf ole, %select_n3A_193, %le3A_197 : vector<256x4096xf32>
    %jit3A_199 = arith.constant 4.096000e+03 : f32
    %broadcast_in_dim3A_200 = vector.shape_cast %get3A_28 : vector<1x4096xf32> to vector<1x4096xf32>
    %broadcast_in_dim3A_201 = vector.broadcast %broadcast_in_dim3A_200 : vector<1x4096xf32> to vector<256x4096xf32>
    %broadcast_in_dim3A_202 = vector.broadcast %jit3A_199 : f32 to vector<256x4096xf32>
    %select_n3A_203 = arith.select %le3A_198, %broadcast_in_dim3A_201, %broadcast_in_dim3A_202 : vector<256x4096xi1>, vector<256x4096xf32>
    %reduce_min3A_204 = arith.constant dense<0x7F800000> : vector<256xf32>
    %reduce_min3A_205 = vector.multi_reduction <minimumf>, %select_n3A_203, %reduce_min3A_204 [1] : vector<256x4096xf32> to vector<256xf32>
    %broadcast_in_dim3A_206 = vector.shape_cast %reduce_min3A_205 : vector<256xf32> to vector<256x1xf32>
    %eq3A_207 = vector.broadcast %get3A_28 : vector<1x4096xf32> to vector<256x4096xf32>
    %eq3A_208 = vector.broadcast %broadcast_in_dim3A_206 : vector<256x1xf32> to vector<256x4096xf32>
    %eq3A_209 = arith.cmpf oeq, %eq3A_207, %eq3A_208 : vector<256x4096xf32>
    %jit3A_210 = arith.constant 0x7F800000 : f32
    %broadcast_in_dim3A_211 = vector.broadcast %jit3A_210 : f32 to vector<256x4096xf32>
    %select_n3A_212 = arith.select %eq3A_209, %broadcast_in_dim3A_211, %select_n3A_193 : vector<256x4096xi1>, vector<256x4096xf32>
    %reduce_min3A_213 = arith.constant dense<0x7F800000> : vector<256xf32>
    %reduce_min3A_214 = vector.multi_reduction <minimumf>, %select_n3A_212, %reduce_min3A_213 [1] : vector<256x4096xf32> to vector<256xf32>
    %broadcast_in_dim3A_215 = vector.shape_cast %reduce_min3A_214 : vector<256xf32> to vector<256x1xf32>
    %le3A_216 = vector.broadcast %broadcast_in_dim3A_215 : vector<256x1xf32> to vector<256x4096xf32>
    %le3A_217 = arith.cmpf ole, %select_n3A_212, %le3A_216 : vector<256x4096xf32>
    %jit3A_218 = arith.constant 4.096000e+03 : f32
    %broadcast_in_dim3A_219 = vector.shape_cast %get3A_28 : vector<1x4096xf32> to vector<1x4096xf32>
    %broadcast_in_dim3A_220 = vector.broadcast %broadcast_in_dim3A_219 : vector<1x4096xf32> to vector<256x4096xf32>
    %broadcast_in_dim3A_221 = vector.broadcast %jit3A_218 : f32 to vector<256x4096xf32>
    %select_n3A_222 = arith.select %le3A_217, %broadcast_in_dim3A_220, %broadcast_in_dim3A_221 : vector<256x4096xi1>, vector<256x4096xf32>
    %reduce_min3A_223 = arith.constant dense<0x7F800000> : vector<256xf32>
    %reduce_min3A_224 = vector.multi_reduction <minimumf>, %select_n3A_222, %reduce_min3A_223 [1] : vector<256x4096xf32> to vector<256xf32>
    %broadcast_in_dim3A_225 = vector.shape_cast %reduce_min3A_224 : vector<256xf32> to vector<256x1xf32>
    %eq3A_226 = vector.broadcast %get3A_28 : vector<1x4096xf32> to vector<256x4096xf32>
    %eq3A_227 = vector.broadcast %broadcast_in_dim3A_225 : vector<256x1xf32> to vector<256x4096xf32>
    %eq3A_228 = arith.cmpf oeq, %eq3A_226, %eq3A_227 : vector<256x4096xf32>
    %jit3A_229 = arith.constant 0x7F800000 : f32
    %broadcast_in_dim3A_230 = vector.broadcast %jit3A_229 : f32 to vector<256x4096xf32>
    %select_n3A_231 = arith.select %eq3A_228, %broadcast_in_dim3A_230, %select_n3A_212 : vector<256x4096xi1>, vector<256x4096xf32>
    %reduce_min3A_232 = arith.constant dense<0x7F800000> : vector<256xf32>
    %reduce_min3A_233 = vector.multi_reduction <minimumf>, %select_n3A_231, %reduce_min3A_232 [1] : vector<256x4096xf32> to vector<256xf32>
    %broadcast_in_dim3A_234 = vector.shape_cast %reduce_min3A_233 : vector<256xf32> to vector<256x1xf32>
    %le3A_235 = vector.broadcast %broadcast_in_dim3A_234 : vector<256x1xf32> to vector<256x4096xf32>
    %le3A_236 = arith.cmpf ole, %select_n3A_231, %le3A_235 : vector<256x4096xf32>
    %jit3A_237 = arith.constant 4.096000e+03 : f32
    %broadcast_in_dim3A_238 = vector.shape_cast %get3A_28 : vector<1x4096xf32> to vector<1x4096xf32>
    %broadcast_in_dim3A_239 = vector.broadcast %broadcast_in_dim3A_238 : vector<1x4096xf32> to vector<256x4096xf32>
    %broadcast_in_dim3A_240 = vector.broadcast %jit3A_237 : f32 to vector<256x4096xf32>
    %select_n3A_241 = arith.select %le3A_236, %broadcast_in_dim3A_239, %broadcast_in_dim3A_240 : vector<256x4096xi1>, vector<256x4096xf32>
    %reduce_min3A_242 = arith.constant dense<0x7F800000> : vector<256xf32>
    %reduce_min3A_243 = vector.multi_reduction <minimumf>, %select_n3A_241, %reduce_min3A_242 [1] : vector<256x4096xf32> to vector<256xf32>
    %broadcast_in_dim3A_244 = vector.shape_cast %reduce_min3A_243 : vector<256xf32> to vector<256x1xf32>
    %eq3A_245 = vector.broadcast %get3A_28 : vector<1x4096xf32> to vector<256x4096xf32>
    %eq3A_246 = vector.broadcast %broadcast_in_dim3A_244 : vector<256x1xf32> to vector<256x4096xf32>
    %eq3A_247 = arith.cmpf oeq, %eq3A_245, %eq3A_246 : vector<256x4096xf32>
    %jit3A_248 = arith.constant 0x7F800000 : f32
    %broadcast_in_dim3A_249 = vector.broadcast %jit3A_248 : f32 to vector<256x4096xf32>
    %select_n3A_250 = arith.select %eq3A_247, %broadcast_in_dim3A_249, %select_n3A_231 : vector<256x4096xi1>, vector<256x4096xf32>
    %reduce_min3A_251 = arith.constant dense<0x7F800000> : vector<256xf32>
    %reduce_min3A_252 = vector.multi_reduction <minimumf>, %select_n3A_250, %reduce_min3A_251 [1] : vector<256x4096xf32> to vector<256xf32>
    %broadcast_in_dim3A_253 = vector.shape_cast %reduce_min3A_252 : vector<256xf32> to vector<256x1xf32>
    %le3A_254 = vector.broadcast %broadcast_in_dim3A_253 : vector<256x1xf32> to vector<256x4096xf32>
    %le3A_255 = arith.cmpf ole, %select_n3A_250, %le3A_254 : vector<256x4096xf32>
    %jit3A_256 = arith.constant 4.096000e+03 : f32
    %broadcast_in_dim3A_257 = vector.shape_cast %get3A_28 : vector<1x4096xf32> to vector<1x4096xf32>
    %broadcast_in_dim3A_258 = vector.broadcast %broadcast_in_dim3A_257 : vector<1x4096xf32> to vector<256x4096xf32>
    %broadcast_in_dim3A_259 = vector.broadcast %jit3A_256 : f32 to vector<256x4096xf32>
    %select_n3A_260 = arith.select %le3A_255, %broadcast_in_dim3A_258, %broadcast_in_dim3A_259 : vector<256x4096xi1>, vector<256x4096xf32>
    %reduce_min3A_261 = arith.constant dense<0x7F800000> : vector<256xf32>
    %reduce_min3A_262 = vector.multi_reduction <minimumf>, %select_n3A_260, %reduce_min3A_261 [1] : vector<256x4096xf32> to vector<256xf32>
    %broadcast_in_dim3A_263 = vector.shape_cast %reduce_min3A_262 : vector<256xf32> to vector<256x1xf32>
    %eq3A_264 = vector.broadcast %get3A_28 : vector<1x4096xf32> to vector<256x4096xf32>
    %eq3A_265 = vector.broadcast %broadcast_in_dim3A_263 : vector<256x1xf32> to vector<256x4096xf32>
    %eq3A_266 = arith.cmpf oeq, %eq3A_264, %eq3A_265 : vector<256x4096xf32>
    %jit3A_267 = arith.constant 0x7F800000 : f32
    %broadcast_in_dim3A_268 = vector.broadcast %jit3A_267 : f32 to vector<256x4096xf32>
    %select_n3A_269 = arith.select %eq3A_266, %broadcast_in_dim3A_268, %select_n3A_250 : vector<256x4096xi1>, vector<256x4096xf32>
    %reduce_min3A_270 = arith.constant dense<0x7F800000> : vector<256xf32>
    %reduce_min3A_271 = vector.multi_reduction <minimumf>, %select_n3A_269, %reduce_min3A_270 [1] : vector<256x4096xf32> to vector<256xf32>
    %broadcast_in_dim3A_272 = vector.shape_cast %reduce_min3A_271 : vector<256xf32> to vector<256x1xf32>
    %le3A_273 = vector.broadcast %broadcast_in_dim3A_272 : vector<256x1xf32> to vector<256x4096xf32>
    %le3A_274 = arith.cmpf ole, %select_n3A_269, %le3A_273 : vector<256x4096xf32>
    %jit3A_275 = arith.constant 4.096000e+03 : f32
    %broadcast_in_dim3A_276 = vector.shape_cast %get3A_28 : vector<1x4096xf32> to vector<1x4096xf32>
    %broadcast_in_dim3A_277 = vector.broadcast %broadcast_in_dim3A_276 : vector<1x4096xf32> to vector<256x4096xf32>
    %broadcast_in_dim3A_278 = vector.broadcast %jit3A_275 : f32 to vector<256x4096xf32>
    %select_n3A_279 = arith.select %le3A_274, %broadcast_in_dim3A_277, %broadcast_in_dim3A_278 : vector<256x4096xi1>, vector<256x4096xf32>
    %reduce_min3A_280 = arith.constant dense<0x7F800000> : vector<256xf32>
    %reduce_min3A_281 = vector.multi_reduction <minimumf>, %select_n3A_279, %reduce_min3A_280 [1] : vector<256x4096xf32> to vector<256xf32>
    %broadcast_in_dim3A_282 = vector.shape_cast %reduce_min3A_281 : vector<256xf32> to vector<256x1xf32>
    %eq3A_283 = vector.broadcast %get3A_28 : vector<1x4096xf32> to vector<256x4096xf32>
    %eq3A_284 = vector.broadcast %broadcast_in_dim3A_282 : vector<256x1xf32> to vector<256x4096xf32>
    %eq3A_285 = arith.cmpf oeq, %eq3A_283, %eq3A_284 : vector<256x4096xf32>
    %jit3A_286 = arith.constant 0x7F800000 : f32
    %broadcast_in_dim3A_287 = vector.broadcast %jit3A_286 : f32 to vector<256x4096xf32>
    %select_n3A_288 = arith.select %eq3A_285, %broadcast_in_dim3A_287, %select_n3A_269 : vector<256x4096xi1>, vector<256x4096xf32>
    %reduce_min3A_289 = arith.constant dense<0x7F800000> : vector<256xf32>
    %reduce_min3A_290 = vector.multi_reduction <minimumf>, %select_n3A_288, %reduce_min3A_289 [1] : vector<256x4096xf32> to vector<256xf32>
    %broadcast_in_dim3A_291 = vector.shape_cast %reduce_min3A_290 : vector<256xf32> to vector<256x1xf32>
    %le3A_292 = vector.broadcast %broadcast_in_dim3A_291 : vector<256x1xf32> to vector<256x4096xf32>
    %le3A_293 = arith.cmpf ole, %select_n3A_288, %le3A_292 : vector<256x4096xf32>
    %jit3A_294 = arith.constant 4.096000e+03 : f32
    %broadcast_in_dim3A_295 = vector.shape_cast %get3A_28 : vector<1x4096xf32> to vector<1x4096xf32>
    %broadcast_in_dim3A_296 = vector.broadcast %broadcast_in_dim3A_295 : vector<1x4096xf32> to vector<256x4096xf32>
    %broadcast_in_dim3A_297 = vector.broadcast %jit3A_294 : f32 to vector<256x4096xf32>
    %select_n3A_298 = arith.select %le3A_293, %broadcast_in_dim3A_296, %broadcast_in_dim3A_297 : vector<256x4096xi1>, vector<256x4096xf32>
    %reduce_min3A_299 = arith.constant dense<0x7F800000> : vector<256xf32>
    %reduce_min3A_300 = vector.multi_reduction <minimumf>, %select_n3A_298, %reduce_min3A_299 [1] : vector<256x4096xf32> to vector<256xf32>
    %broadcast_in_dim3A_301 = vector.shape_cast %reduce_min3A_300 : vector<256xf32> to vector<256x1xf32>
    %eq3A_302 = vector.broadcast %get3A_28 : vector<1x4096xf32> to vector<256x4096xf32>
    %eq3A_303 = vector.broadcast %broadcast_in_dim3A_301 : vector<256x1xf32> to vector<256x4096xf32>
    %eq3A_304 = arith.cmpf oeq, %eq3A_302, %eq3A_303 : vector<256x4096xf32>
    %jit3A_305 = arith.constant 0x7F800000 : f32
    %broadcast_in_dim3A_306 = vector.broadcast %jit3A_305 : f32 to vector<256x4096xf32>
    %select_n3A_307 = arith.select %eq3A_304, %broadcast_in_dim3A_306, %select_n3A_288 : vector<256x4096xi1>, vector<256x4096xf32>
    %reduce_min3A_308 = arith.constant dense<0x7F800000> : vector<256xf32>
    %reduce_min3A_309 = vector.multi_reduction <minimumf>, %select_n3A_307, %reduce_min3A_308 [1] : vector<256x4096xf32> to vector<256xf32>
    %broadcast_in_dim3A_310 = vector.shape_cast %reduce_min3A_309 : vector<256xf32> to vector<256x1xf32>
    %le3A_311 = vector.broadcast %broadcast_in_dim3A_310 : vector<256x1xf32> to vector<256x4096xf32>
    %le3A_312 = arith.cmpf ole, %select_n3A_307, %le3A_311 : vector<256x4096xf32>
    %jit3A_313 = arith.constant 4.096000e+03 : f32
    %broadcast_in_dim3A_314 = vector.shape_cast %get3A_28 : vector<1x4096xf32> to vector<1x4096xf32>
    %broadcast_in_dim3A_315 = vector.broadcast %broadcast_in_dim3A_314 : vector<1x4096xf32> to vector<256x4096xf32>
    %broadcast_in_dim3A_316 = vector.broadcast %jit3A_313 : f32 to vector<256x4096xf32>
    %select_n3A_317 = arith.select %le3A_312, %broadcast_in_dim3A_315, %broadcast_in_dim3A_316 : vector<256x4096xi1>, vector<256x4096xf32>
    %reduce_min3A_318 = arith.constant dense<0x7F800000> : vector<256xf32>
    %reduce_min3A_319 = vector.multi_reduction <minimumf>, %select_n3A_317, %reduce_min3A_318 [1] : vector<256x4096xf32> to vector<256xf32>
    %broadcast_in_dim3A_320 = vector.shape_cast %reduce_min3A_319 : vector<256xf32> to vector<256x1xf32>
    %concatenate3A = tpu.concatenate %broadcast_in_dim3A_36, %broadcast_in_dim3A_54, %broadcast_in_dim3A_73, %broadcast_in_dim3A_92, %broadcast_in_dim3A_111, %broadcast_in_dim3A_130, %broadcast_in_dim3A_149, %broadcast_in_dim3A_168, %broadcast_in_dim3A_187, %broadcast_in_dim3A_206, %broadcast_in_dim3A_225, %broadcast_in_dim3A_244, %broadcast_in_dim3A_263, %broadcast_in_dim3A_282, %broadcast_in_dim3A_301, %broadcast_in_dim3A_320 in 1 : vector<256x1xf32>, vector<256x1xf32>, vector<256x1xf32>, vector<256x1xf32>, vector<256x1xf32>, vector<256x1xf32>, vector<256x1xf32>, vector<256x1xf32>, vector<256x1xf32>, vector<256x1xf32>, vector<256x1xf32>, vector<256x1xf32>, vector<256x1xf32>, vector<256x1xf32>, vector<256x1xf32>, vector<256x1xf32> -> vector<256x16xf32>
    %convert_element_type3A = arith.fptosi %concatenate3A : vector<256x16xf32> to vector<256x16xi32>
    %mul3A_321 = arith.constant 4096 : i32
    %mul3A_322 = arith.muli %mul3A_321, %arg0 : i32
    %add3A_323 = vector.broadcast %mul3A_322 : i32 to vector<256x16xi32>
    %add3A_324 = arith.addi %convert_element_type3A, %add3A_323 : vector<256x16xi32>
    %swap3A = arith.constant 0 : index
    %swap3A_325 = arith.constant 0 : index
    %swap3A_326 = arith.constant 0 : index
    %swap3A_327 = vector.load %arg7[%swap3A, %swap3A_325, %swap3A_326] : memref<1x256x16xi32, #tpu.memory_space<vmem>>, vector<1x256x16xi32>
    %swap3A_328 = vector.shape_cast %swap3A_327 : vector<1x256x16xi32> to vector<256x16xi32>
    %swap3A_329 = vector.shape_cast %add3A_324 : vector<256x16xi32> to vector<1x256x16xi32>
    tpu.vector_store %arg7[%swap3A, %swap3A_325, %swap3A_326], %swap3A_329 {strides = array<i32>} : memref<1x256x16xi32, #tpu.memory_space<vmem>>, vector<1x256x16xi32>,
    return
  }
  func.func @transform_0(%arg0: i32, %arg1: i32) -> (i32, i32, i32) {
    %c0_i32 = arith.constant 0 : i32
    %c0_i32_0 = arith.constant 0 : i32
    return %arg0, %arg1, %c0_i32 : i32, i32, i32
  }
  func.func @transform_1(%arg0: i32, %arg1: i32) -> (i32, i32, i32) {
    %c0_i32 = arith.constant 0 : i32
    %c0_i32_0 = arith.constant 0 : i32
    %c0_i32_1 = arith.constant 0 : i32
    return %arg0, %c0_i32, %c0_i32_0 : i32, i32, i32
  }
  func.func @transform_2(%arg0: i32, %arg1: i32) -> (i32, i32, i32) {
    %c0_i32 = arith.constant 0 : i32
    %c0_i32_0 = arith.constant 0 : i32
    return %arg0, %arg1, %c0_i32 : i32, i32, i32
  }
  func.func @transform_3(%arg0: i32, %arg1: i32) -> (i32, i32, i32) {
    %c0_i32 = arith.constant 0 : i32
    %c0_i32_0 = arith.constant 0 : i32
    %c0_i32_1 = arith.constant 0 : i32
    return %arg0, %c0_i32, %c0_i32_0 : i32, i32, i32
  }
  func.func @transform_4(%arg0: i32, %arg1: i32) -> (i32, i32, i32) {
    %c0_i32 = arith.constant 0 : i32
    %c0_i32_0 = arith.constant 0 : i32
    %c0_i32_1 = arith.constant 0 : i32
    %c0_i32_2 = arith.constant 0 : i32
    return %c0_i32, %c0_i32_0, %c0_i32_1 : i32, i32, i32
  }
  func.func @transform_5(%arg0: i32, %arg1: i32) -> (i32, i32, i32) {
    %c0_i32 = arith.constant 0 : i32
    %c0_i32_0 = arith.constant 0 : i32
    return %arg0, %arg1, %c0_i32 : i32, i32, i32
  }
}

module attributes {stable_mosaic.version = 14 : i64} {
  func.func @_proj_body(%arg0: i32, %arg1: memref<1x4096x64xf32, #tpu.memory_space<vmem>>, %arg2: memref<1x4096x8xf32, #tpu.memory_space<vmem>>, %arg3: memref<64x64xf32, #tpu.memory_space<vmem>>, %arg4: memref<1x64xf32, #tpu.memory_space<vmem>>, %arg5: memref<64x64xf32, #tpu.memory_space<vmem>>, %arg6: memref<1x64xf32, #tpu.memory_space<vmem>>, %arg7: memref<64x64xf32, #tpu.memory_space<vmem>>, %arg8: memref<1x64xf32, #tpu.memory_space<vmem>>, %arg9: memref<8x64xf32, #tpu.memory_space<vmem>>, %arg10: memref<1x4096x64xf32, #tpu.memory_space<vmem>>, %arg11: memref<4096x128xf32, #tpu.memory_space<vmem>>, %arg12: memref<4096x128xf32, #tpu.memory_space<vmem>>) attributes {dimension_semantics = [#tpu.dimension_semantics<arbitrary>], iteration_bounds = array<i64: 4>, scalar_prefetch = 0 : i64, scratch_operands = 0 : i64, tpu.core_type = #tpu.core_type<tc>, window_params = [{transform_indices = @transform_0, window_bounds = array<i64: 1, 4096, 64>}, {transform_indices = @transform_1, window_bounds = array<i64: 1, 4096, 8>}, {pipeline_mode = #tpu.pipeline_mode<synchronous>, transform_indices = @transform_2, window_bounds = array<i64: 64, 64>}, {pipeline_mode = #tpu.pipeline_mode<synchronous>, transform_indices = @transform_3, window_bounds = array<i64: 1, 64>}, {pipeline_mode = #tpu.pipeline_mode<synchronous>, transform_indices = @transform_4, window_bounds = array<i64: 64, 64>}, {pipeline_mode = #tpu.pipeline_mode<synchronous>, transform_indices = @transform_5, window_bounds = array<i64: 1, 64>}, {pipeline_mode = #tpu.pipeline_mode<synchronous>, transform_indices = @transform_6, window_bounds = array<i64: 64, 64>}, {pipeline_mode = #tpu.pipeline_mode<synchronous>, transform_indices = @transform_7, window_bounds = array<i64: 1, 64>}, {pipeline_mode = #tpu.pipeline_mode<synchronous>, transform_indices = @transform_8, window_bounds = array<i64: 8, 64>}, {transform_indices = @transform_9, window_bounds = array<i64: 1, 4096, 64>}, {transform_indices = @transform_10, window_bounds = array<i64: 4096, 128>}, {transform_indices = @transform_11, window_bounds = array<i64: 4096, 128>}]} {
    %get3A = arith.constant 0 : index
    %get3A_0 = arith.constant 0 : index
    %get3A_1 = arith.constant 0 : index
    %get3A_2 = vector.load %arg1[%get3A, %get3A_0, %get3A_1] : memref<1x4096x64xf32, #tpu.memory_space<vmem>>, vector<1x4096x64xf32>
    %get3A_3 = vector.shape_cast %get3A_2 : vector<1x4096x64xf32> to vector<4096x64xf32>
    %get3A_4 = arith.constant 0 : index
    %get3A_5 = arith.constant 0 : index
    %get3A_6 = vector.load %arg3[%get3A_4, %get3A_5] : memref<64x64xf32, #tpu.memory_space<vmem>>, vector<64x64xf32>
    %dot_general3A = arith.constant dense<0.000000e+00> : vector<4096x64xf32>
    %dot_general3A_7 = tpu.matmul %get3A_3, %get3A_6, %dot_general3A {dimension_numbers = #tpu.dot_dimension_numbers<[1], [0], [0], [1], [0, 0, 1, 1], [], []>, transpose_lhs_hint = false} : vector<4096x64xf32>, vector<64x64xf32>, vector<4096x64xf32> -> vector<4096x64xf32>
    %get3A_8 = arith.constant 0 : index
    %get3A_9 = arith.constant 0 : index
    %get3A_10 = vector.load %arg4[%get3A_8, %get3A_9] : memref<1x64xf32, #tpu.memory_space<vmem>>, vector<1x64xf32>
    %add3A = vector.broadcast %get3A_10 : vector<1x64xf32> to vector<4096x64xf32>
    %add3A_11 = arith.addf %dot_general3A_7, %add3A : vector<4096x64xf32>
    %swap3A = arith.constant 0 : index
    %swap3A_12 = arith.constant 0 : index
    %swap3A_13 = arith.constant 0 : index
    %swap3A_14 = vector.load %arg10[%swap3A, %swap3A_12, %swap3A_13] : memref<1x4096x64xf32, #tpu.memory_space<vmem>>, vector<1x4096x64xf32>
    %swap3A_15 = vector.shape_cast %swap3A_14 : vector<1x4096x64xf32> to vector<4096x64xf32>
    %swap3A_16 = vector.shape_cast %add3A_11 : vector<4096x64xf32> to vector<1x4096x64xf32>
    tpu.vector_store %arg10[%swap3A, %swap3A_12, %swap3A_13], %swap3A_16 {strides = array<i32>} : memref<1x4096x64xf32, #tpu.memory_space<vmem>>, vector<1x4096x64xf32>,
    %get3A_17 = arith.constant 0 : index
    %get3A_18 = arith.constant 0 : index
    %get3A_19 = vector.load %arg5[%get3A_17, %get3A_18] : memref<64x64xf32, #tpu.memory_space<vmem>>, vector<64x64xf32>
    %dot_general3A_20 = arith.constant dense<0.000000e+00> : vector<4096x64xf32>
    %dot_general3A_21 = tpu.matmul %get3A_3, %get3A_19, %dot_general3A_20 {dimension_numbers = #tpu.dot_dimension_numbers<[1], [0], [0], [1], [0, 0, 1, 1], [], []>, transpose_lhs_hint = false} : vector<4096x64xf32>, vector<64x64xf32>, vector<4096x64xf32> -> vector<4096x64xf32>
    %get3A_22 = arith.constant 0 : index
    %get3A_23 = arith.constant 0 : index
    %get3A_24 = vector.load %arg6[%get3A_22, %get3A_23] : memref<1x64xf32, #tpu.memory_space<vmem>>, vector<1x64xf32>
    %add3A_25 = vector.broadcast %get3A_24 : vector<1x64xf32> to vector<4096x64xf32>
    %add3A_26 = arith.addf %dot_general3A_21, %add3A_25 : vector<4096x64xf32>
    %get3A_27 = arith.constant 0 : index
    %get3A_28 = arith.constant 0 : index
    %get3A_29 = vector.load %arg7[%get3A_27, %get3A_28] : memref<64x64xf32, #tpu.memory_space<vmem>>, vector<64x64xf32>
    %dot_general3A_30 = arith.constant dense<0.000000e+00> : vector<4096x64xf32>
    %dot_general3A_31 = tpu.matmul %get3A_3, %get3A_29, %dot_general3A_30 {dimension_numbers = #tpu.dot_dimension_numbers<[1], [0], [0], [1], [0, 0, 1, 1], [], []>, transpose_lhs_hint = false} : vector<4096x64xf32>, vector<64x64xf32>, vector<4096x64xf32> -> vector<4096x64xf32>
    %get3A_32 = arith.constant 0 : index
    %get3A_33 = arith.constant 0 : index
    %get3A_34 = vector.load %arg8[%get3A_32, %get3A_33] : memref<1x64xf32, #tpu.memory_space<vmem>>, vector<1x64xf32>
    %add3A_35 = vector.broadcast %get3A_34 : vector<1x64xf32> to vector<4096x64xf32>
    %add3A_36 = arith.addf %dot_general3A_31, %add3A_35 : vector<4096x64xf32>
    %concatenate3A = tpu.concatenate %add3A_26, %add3A_36 in 1 : vector<4096x64xf32>, vector<4096x64xf32> -> vector<4096x128xf32>
    %swap3A_37 = arith.constant 0 : index
    %swap3A_38 = arith.constant 0 : index
    %swap3A_39 = vector.load %arg11[%swap3A_37, %swap3A_38] : memref<4096x128xf32, #tpu.memory_space<vmem>>, vector<4096x128xf32>
    tpu.vector_store %arg11[%swap3A_37, %swap3A_38], %concatenate3A {strides = array<i32>} : memref<4096x128xf32, #tpu.memory_space<vmem>>, vector<4096x128xf32>,
    %get3A_40 = arith.constant 0 : index
    %get3A_41 = arith.constant 0 : index
    %get3A_42 = arith.constant 0 : index
    %get3A_43 = vector.load %arg2[%get3A_40, %get3A_41, %get3A_42] : memref<1x4096x8xf32, #tpu.memory_space<vmem>>, vector<1x4096x8xf32>
    %get3A_44 = vector.shape_cast %get3A_43 : vector<1x4096x8xf32> to vector<4096x8xf32>
    %get3A_45 = arith.constant 0 : index
    %get3A_46 = arith.constant 0 : index
    %get3A_47 = vector.load %arg9[%get3A_45, %get3A_46] : memref<8x64xf32, #tpu.memory_space<vmem>>, vector<8x64xf32>
    %dot_general3A_48 = arith.constant dense<0.000000e+00> : vector<4096x64xf32>
    %dot_general3A_49 = tpu.matmul %get3A_44, %get3A_47, %dot_general3A_48 {dimension_numbers = #tpu.dot_dimension_numbers<[1], [0], [0], [1], [0, 0, 1, 1], [], []>, transpose_lhs_hint = false} : vector<4096x8xf32>, vector<8x64xf32>, vector<4096x64xf32> -> vector<4096x64xf32>
    %broadcast_in_dim3A = arith.constant 0.000000e+00 : f32
    %broadcast_in_dim3A_50 = vector.broadcast %broadcast_in_dim3A : f32 to vector<4096x64xf32>
    %concatenate3A_51 = tpu.concatenate %dot_general3A_49, %broadcast_in_dim3A_50 in 1 : vector<4096x64xf32>, vector<4096x64xf32> -> vector<4096x128xf32>
    %swap3A_52 = arith.constant 0 : index
    %swap3A_53 = arith.constant 0 : index
    %swap3A_54 = vector.load %arg12[%swap3A_52, %swap3A_53] : memref<4096x128xf32, #tpu.memory_space<vmem>>, vector<4096x128xf32>
    tpu.vector_store %arg12[%swap3A_52, %swap3A_53], %concatenate3A_51 {strides = array<i32>} : memref<4096x128xf32, #tpu.memory_space<vmem>>, vector<4096x128xf32>,
    return
  }
  func.func @transform_0(%arg0: i32) -> (i32, i32, i32) {
    %c0_i32 = arith.constant 0 : i32
    %c0_i32_0 = arith.constant 0 : i32
    %c0_i32_1 = arith.constant 0 : i32
    return %arg0, %c0_i32, %c0_i32_0 : i32, i32, i32
  }
  func.func @transform_1(%arg0: i32) -> (i32, i32, i32) {
    %c0_i32 = arith.constant 0 : i32
    %c0_i32_0 = arith.constant 0 : i32
    %c0_i32_1 = arith.constant 0 : i32
    return %arg0, %c0_i32, %c0_i32_0 : i32, i32, i32
  }
  func.func @transform_2(%arg0: i32) -> (i32, i32) {
    %c0_i32 = arith.constant 0 : i32
    %c0_i32_0 = arith.constant 0 : i32
    %c0_i32_1 = arith.constant 0 : i32
    return %c0_i32, %c0_i32_0 : i32, i32
  }
  func.func @transform_3(%arg0: i32) -> (i32, i32) {
    %c0_i32 = arith.constant 0 : i32
    %c0_i32_0 = arith.constant 0 : i32
    %c0_i32_1 = arith.constant 0 : i32
    return %c0_i32, %c0_i32_0 : i32, i32
  }
  func.func @transform_4(%arg0: i32) -> (i32, i32) {
    %c0_i32 = arith.constant 0 : i32
    %c0_i32_0 = arith.constant 0 : i32
    %c0_i32_1 = arith.constant 0 : i32
    return %c0_i32, %c0_i32_0 : i32, i32
  }
  func.func @transform_5(%arg0: i32) -> (i32, i32) {
    %c0_i32 = arith.constant 0 : i32
    %c0_i32_0 = arith.constant 0 : i32
    %c0_i32_1 = arith.constant 0 : i32
    return %c0_i32, %c0_i32_0 : i32, i32
  }
  func.func @transform_6(%arg0: i32) -> (i32, i32) {
    %c0_i32 = arith.constant 0 : i32
    %c0_i32_0 = arith.constant 0 : i32
    %c0_i32_1 = arith.constant 0 : i32
    return %c0_i32, %c0_i32_0 : i32, i32
  }
  func.func @transform_7(%arg0: i32) -> (i32, i32) {
    %c0_i32 = arith.constant 0 : i32
    %c0_i32_0 = arith.constant 0 : i32
    %c0_i32_1 = arith.constant 0 : i32
    return %c0_i32, %c0_i32_0 : i32, i32
  }
  func.func @transform_8(%arg0: i32) -> (i32, i32) {
    %c0_i32 = arith.constant 0 : i32
    %c0_i32_0 = arith.constant 0 : i32
    %c0_i32_1 = arith.constant 0 : i32
    return %c0_i32, %c0_i32_0 : i32, i32
  }
  func.func @transform_9(%arg0: i32) -> (i32, i32, i32) {
    %c0_i32 = arith.constant 0 : i32
    %c0_i32_0 = arith.constant 0 : i32
    %c0_i32_1 = arith.constant 0 : i32
    return %arg0, %c0_i32, %c0_i32_0 : i32, i32, i32
  }
  func.func @transform_10(%arg0: i32) -> (i32, i32) {
    %c0_i32 = arith.constant 0 : i32
    %c0_i32_0 = arith.constant 0 : i32
    return %arg0, %c0_i32 : i32, i32
  }
  func.func @transform_11(%arg0: i32) -> (i32, i32) {
    %c0_i32 = arith.constant 0 : i32
    %c0_i32_0 = arith.constant 0 : i32
    return %arg0, %c0_i32 : i32, i32
  }
}

module attributes {stable_mosaic.version = 14 : i64} {
  func.func @_attn_body(%arg0: i32, %arg1: i32, %arg2: memref<1x256x64xf32, #tpu.memory_space<vmem>>, %arg3: memref<4096x128xf32, #tpu.memory_space<vmem>>, %arg4: memref<4096x128xf32, #tpu.memory_space<vmem>>, %arg5: memref<1x256x8xf32, #tpu.memory_space<vmem>>, %arg6: memref<1x256x64xf32, #tpu.memory_space<vmem>>, %arg7: memref<8x64xf32, #tpu.memory_space<vmem>>, %arg8: memref<1x64xf32, #tpu.memory_space<vmem>>, %arg9: memref<64x64xf32, #tpu.memory_space<vmem>>, %arg10: memref<1x64xf32, #tpu.memory_space<vmem>>, %arg11: memref<64x64xf32, #tpu.memory_space<vmem>>, %arg12: memref<1x64xf32, #tpu.memory_space<vmem>>, %arg13: memref<1x256x64xf32, #tpu.memory_space<vmem>>) attributes {dimension_semantics = [#tpu.dimension_semantics<arbitrary>, #tpu.dimension_semantics<arbitrary>], iteration_bounds = array<i64: 4, 16>, scalar_prefetch = 0 : i64, scratch_operands = 0 : i64, tpu.core_type = #tpu.core_type<tc>, window_params = [{transform_indices = @transform_0, window_bounds = array<i64: 1, 256, 64>}, {transform_indices = @transform_1, window_bounds = array<i64: 4096, 128>}, {transform_indices = @transform_2, window_bounds = array<i64: 4096, 128>}, {transform_indices = @transform_3, window_bounds = array<i64: 1, 256, 8>}, {transform_indices = @transform_4, window_bounds = array<i64: 1, 256, 64>}, {pipeline_mode = #tpu.pipeline_mode<synchronous>, transform_indices = @transform_5, window_bounds = array<i64: 8, 64>}, {pipeline_mode = #tpu.pipeline_mode<synchronous>, transform_indices = @transform_6, window_bounds = array<i64: 1, 64>}, {pipeline_mode = #tpu.pipeline_mode<synchronous>, transform_indices = @transform_7, window_bounds = array<i64: 64, 64>}, {pipeline_mode = #tpu.pipeline_mode<synchronous>, transform_indices = @transform_8, window_bounds = array<i64: 1, 64>}, {pipeline_mode = #tpu.pipeline_mode<synchronous>, transform_indices = @transform_9, window_bounds = array<i64: 64, 64>}, {pipeline_mode = #tpu.pipeline_mode<synchronous>, transform_indices = @transform_10, window_bounds = array<i64: 1, 64>}, {transform_indices = @transform_11, window_bounds = array<i64: 1, 256, 64>}]} {
    %get3A = arith.constant 0 : index
    %get3A_0 = arith.constant 0 : index
    %get3A_1 = arith.constant 0 : index
    %get3A_2 = vector.load %arg5[%get3A, %get3A_0, %get3A_1] : memref<1x256x8xf32, #tpu.memory_space<vmem>>, vector<1x256x8xf32>
    %get3A_3 = vector.shape_cast %get3A_2 : vector<1x256x8xf32> to vector<256x8xf32>
    %get3A_4 = arith.constant 0 : index
    %get3A_5 = arith.constant 0 : index
    %get3A_6 = vector.load %arg7[%get3A_4, %get3A_5] : memref<8x64xf32, #tpu.memory_space<vmem>>, vector<8x64xf32>
    %dot_general3A = arith.constant dense<0.000000e+00> : vector<256x64xf32>
    %dot_general3A_7 = tpu.matmul %get3A_3, %get3A_6, %dot_general3A {dimension_numbers = #tpu.dot_dimension_numbers<[1], [0], [0], [1], [0, 0, 1, 1], [], []>, transpose_lhs_hint = false} : vector<256x8xf32>, vector<8x64xf32>, vector<256x64xf32> -> vector<256x64xf32>
    %get3A_8 = arith.constant 0 : index
    %get3A_9 = arith.constant 0 : index
    %get3A_10 = vector.load %arg8[%get3A_8, %get3A_9] : memref<1x64xf32, #tpu.memory_space<vmem>>, vector<1x64xf32>
    %add3A = vector.broadcast %get3A_10 : vector<1x64xf32> to vector<256x64xf32>
    %add3A_11 = arith.addf %dot_general3A_7, %add3A : vector<256x64xf32>
    %get3A_12 = arith.constant 0 : index
    %get3A_13 = arith.constant 0 : index
    %get3A_14 = vector.load %arg4[%get3A_12, %get3A_13] : memref<4096x128xf32, #tpu.memory_space<vmem>>, vector<4096x64xf32>
    %reshape3A = vector.shape_cast %get3A_14 : vector<4096x64xf32> to vector<256x16x64xf32>
    %broadcast_in_dim3A = vector.shape_cast %add3A_11 : vector<256x64xf32> to vector<256x1x64xf32>
    %sub3A = vector.broadcast %broadcast_in_dim3A : vector<256x1x64xf32> to vector<256x16x64xf32>
    %sub3A_15 = arith.subf %sub3A, %reshape3A : vector<256x16x64xf32>
    %max3A = arith.constant 0.000000e+00 : f32
    %max3A_16 = vector.broadcast %max3A : f32 to vector<256x16x64xf32>
    %max3A_17 = arith.maximumf %sub3A_15, %max3A_16 : vector<256x16x64xf32>
    %reshape3A_18 = vector.shape_cast %max3A_17 : vector<256x16x64xf32> to vector<4096x64xf32>
    %get3A_19 = arith.constant 0 : index
    %get3A_20 = arith.constant 0 : index
    %get3A_21 = vector.load %arg9[%get3A_19, %get3A_20] : memref<64x64xf32, #tpu.memory_space<vmem>>, vector<64x64xf32>
    %dot_general3A_22 = arith.constant dense<0.000000e+00> : vector<4096x64xf32>
    %dot_general3A_23 = tpu.matmul %reshape3A_18, %get3A_21, %dot_general3A_22 {dimension_numbers = #tpu.dot_dimension_numbers<[1], [0], [0], [1], [0, 0, 1, 1], [], []>, transpose_lhs_hint = false} : vector<4096x64xf32>, vector<64x64xf32>, vector<4096x64xf32> -> vector<4096x64xf32>
    %get3A_24 = arith.constant 0 : index
    %get3A_25 = arith.constant 0 : index
    %get3A_26 = vector.load %arg10[%get3A_24, %get3A_25] : memref<1x64xf32, #tpu.memory_space<vmem>>, vector<1x64xf32>
    %add3A_27 = vector.broadcast %get3A_26 : vector<1x64xf32> to vector<4096x64xf32>
    %add3A_28 = arith.addf %dot_general3A_23, %add3A_27 : vector<4096x64xf32>
    %get3A_29 = arith.constant 0 : index
    %get3A_30 = arith.constant 0 : index
    %get3A_31 = vector.load %arg3[%get3A_29, %get3A_30] : memref<4096x128xf32, #tpu.memory_space<vmem>>, vector<4096x64xf32>
    %add3A_32 = arith.addf %get3A_31, %add3A_28 : vector<4096x64xf32>
    %reshape3A_33 = vector.shape_cast %add3A_32 : vector<4096x64xf32> to vector<256x16x64xf32>
    %get3A_34 = arith.constant 0 : index
    %get3A_35 = arith.constant 0 : index
    %get3A_36 = arith.constant 0 : index
    %get3A_37 = vector.load %arg2[%get3A_34, %get3A_35, %get3A_36] : memref<1x256x64xf32, #tpu.memory_space<vmem>>, vector<1x256x64xf32>
    %get3A_38 = vector.shape_cast %get3A_37 : vector<1x256x64xf32> to vector<256x64xf32>
    %broadcast_in_dim3A_39 = vector.shape_cast %get3A_38 : vector<256x64xf32> to vector<256x1x64xf32>
    %mul3A = vector.broadcast %broadcast_in_dim3A_39 : vector<256x1x64xf32> to vector<256x16x64xf32>
    %mul3A_40 = arith.mulf %mul3A, %reshape3A_33 : vector<256x16x64xf32>
    %reduce_sum3A = arith.constant dense<0.000000e+00> : vector<256x16xf32>
    %reduce_sum3A_41 = vector.multi_reduction <add>, %mul3A_40, %reduce_sum3A [2] : vector<256x16x64xf32> to vector<256x16xf32>
    %mul3A_42 = arith.constant 1.250000e-01 : f32
    %mul3A_43 = vector.broadcast %mul3A_42 : f32 to vector<256x16xf32>
    %mul3A_44 = arith.mulf %reduce_sum3A_41, %mul3A_43 : vector<256x16xf32>
    %reduce_max3A = arith.constant dense<0xFF800000> : vector<256xf32>
    %reduce_max3A_45 = vector.multi_reduction <maximumf>, %mul3A_44, %reduce_max3A [1] : vector<256x16xf32> to vector<256xf32>
    %broadcast_in_dim3A_46 = vector.shape_cast %reduce_max3A_45 : vector<256xf32> to vector<256x1xf32>
    %sub3A_47 = vector.broadcast %broadcast_in_dim3A_46 : vector<256x1xf32> to vector<256x16xf32>
    %sub3A_48 = arith.subf %mul3A_44, %sub3A_47 : vector<256x16xf32>
    %exp3A = math.exp %sub3A_48 : vector<256x16xf32>
    %reduce_sum3A_49 = arith.constant dense<0.000000e+00> : vector<256xf32>
    %reduce_sum3A_50 = vector.multi_reduction <add>, %exp3A, %reduce_sum3A_49 [1] : vector<256x16xf32> to vector<256xf32>
    %broadcast_in_dim3A_51 = vector.shape_cast %reduce_sum3A_50 : vector<256xf32> to vector<256x1xf32>
    %div3A = vector.broadcast %broadcast_in_dim3A_51 : vector<256x1xf32> to vector<256x16xf32>
    %div3A_52 = arith.divf %exp3A, %div3A : vector<256x16xf32>
    %get3A_53 = arith.constant 0 : index
    %get3A_54 = arith.constant 64 : index
    %get3A_55 = vector.load %arg3[%get3A_53, %get3A_54] : memref<4096x128xf32, #tpu.memory_space<vmem>>, vector<4096x64xf32>
    %add3A_56 = arith.addf %get3A_55, %add3A_28 : vector<4096x64xf32>
    %reshape3A_57 = vector.shape_cast %add3A_56 : vector<4096x64xf32> to vector<256x16x64xf32>
    %broadcast_in_dim3A_58 = vector.shape_cast %div3A_52 : vector<256x16xf32> to vector<256x16x1xf32>
    %mul3A_59 = vector.broadcast %broadcast_in_dim3A_58 : vector<256x16x1xf32> to vector<256x16x64xf32>
    %mul3A_60 = arith.mulf %mul3A_59, %reshape3A_57 : vector<256x16x64xf32>
    %reduce_sum3A_61 = arith.constant dense<0.000000e+00> : vector<256x64xf32>
    %reduce_sum3A_62 = vector.multi_reduction <add>, %mul3A_60, %reduce_sum3A_61 [1] : vector<256x16x64xf32> to vector<256x64xf32>
    %get3A_63 = arith.constant 0 : index
    %get3A_64 = arith.constant 0 : index
    %get3A_65 = vector.load %arg11[%get3A_63, %get3A_64] : memref<64x64xf32, #tpu.memory_space<vmem>>, vector<64x64xf32>
    %dot_general3A_66 = arith.constant dense<0.000000e+00> : vector<256x64xf32>
    %dot_general3A_67 = tpu.matmul %reduce_sum3A_62, %get3A_65, %dot_general3A_66 {dimension_numbers = #tpu.dot_dimension_numbers<[1], [0], [0], [1], [0, 0, 1, 1], [], []>, transpose_lhs_hint = false} : vector<256x64xf32>, vector<64x64xf32>, vector<256x64xf32> -> vector<256x64xf32>
    %get3A_68 = arith.constant 0 : index
    %get3A_69 = arith.constant 0 : index
    %get3A_70 = vector.load %arg12[%get3A_68, %get3A_69] : memref<1x64xf32, #tpu.memory_space<vmem>>, vector<1x64xf32>
    %add3A_71 = vector.broadcast %get3A_70 : vector<1x64xf32> to vector<256x64xf32>
    %add3A_72 = arith.addf %dot_general3A_67, %add3A_71 : vector<256x64xf32>
    %get3A_73 = arith.constant 0 : index
    %get3A_74 = arith.constant 0 : index
    %get3A_75 = arith.constant 0 : index
    %get3A_76 = vector.load %arg6[%get3A_73, %get3A_74, %get3A_75] : memref<1x256x64xf32, #tpu.memory_space<vmem>>, vector<1x256x64xf32>
    %get3A_77 = vector.shape_cast %get3A_76 : vector<1x256x64xf32> to vector<256x64xf32>
    %add3A_78 = arith.addf %add3A_72, %get3A_77 : vector<256x64xf32>
    %swap3A = arith.constant 0 : index
    %swap3A_79 = arith.constant 0 : index
    %swap3A_80 = arith.constant 0 : index
    %swap3A_81 = vector.load %arg13[%swap3A, %swap3A_79, %swap3A_80] : memref<1x256x64xf32, #tpu.memory_space<vmem>>, vector<1x256x64xf32>
    %swap3A_82 = vector.shape_cast %swap3A_81 : vector<1x256x64xf32> to vector<256x64xf32>
    %swap3A_83 = vector.shape_cast %add3A_78 : vector<256x64xf32> to vector<1x256x64xf32>
    tpu.vector_store %arg13[%swap3A, %swap3A_79, %swap3A_80], %swap3A_83 {strides = array<i32>} : memref<1x256x64xf32, #tpu.memory_space<vmem>>, vector<1x256x64xf32>,
    return
  }
  func.func @transform_0(%arg0: i32, %arg1: i32) -> (i32, i32, i32) {
    %c0_i32 = arith.constant 0 : i32
    %c0_i32_0 = arith.constant 0 : i32
    return %arg0, %arg1, %c0_i32 : i32, i32, i32
  }
  func.func @transform_1(%arg0: i32, %arg1: i32) -> (i32, i32) {
    %mul3A = arith.constant 16 : i32
    %mul3A_0 = arith.muli %arg0, %mul3A : i32
    %add3A = arith.addi %mul3A_0, %arg1 : i32
    %c0_i32 = arith.constant 0 : i32
    %c0_i32_1 = arith.constant 0 : i32
    return %add3A, %c0_i32 : i32, i32
  }
  func.func @transform_2(%arg0: i32, %arg1: i32) -> (i32, i32) {
    %mul3A = arith.constant 16 : i32
    %mul3A_0 = arith.muli %arg0, %mul3A : i32
    %add3A = arith.addi %mul3A_0, %arg1 : i32
    %c0_i32 = arith.constant 0 : i32
    %c0_i32_1 = arith.constant 0 : i32
    return %add3A, %c0_i32 : i32, i32
  }
  func.func @transform_3(%arg0: i32, %arg1: i32) -> (i32, i32, i32) {
    %c0_i32 = arith.constant 0 : i32
    %c0_i32_0 = arith.constant 0 : i32
    return %arg0, %arg1, %c0_i32 : i32, i32, i32
  }
  func.func @transform_4(%arg0: i32, %arg1: i32) -> (i32, i32, i32) {
    %c0_i32 = arith.constant 0 : i32
    %c0_i32_0 = arith.constant 0 : i32
    return %arg0, %arg1, %c0_i32 : i32, i32, i32
  }
  func.func @transform_5(%arg0: i32, %arg1: i32) -> (i32, i32) {
    %c0_i32 = arith.constant 0 : i32
    %c0_i32_0 = arith.constant 0 : i32
    %c0_i32_1 = arith.constant 0 : i32
    return %c0_i32, %c0_i32_0 : i32, i32
  }
  func.func @transform_6(%arg0: i32, %arg1: i32) -> (i32, i32) {
    %c0_i32 = arith.constant 0 : i32
    %c0_i32_0 = arith.constant 0 : i32
    %c0_i32_1 = arith.constant 0 : i32
    return %c0_i32, %c0_i32_0 : i32, i32
  }
  func.func @transform_7(%arg0: i32, %arg1: i32) -> (i32, i32) {
    %c0_i32 = arith.constant 0 : i32
    %c0_i32_0 = arith.constant 0 : i32
    %c0_i32_1 = arith.constant 0 : i32
    return %c0_i32, %c0_i32_0 : i32, i32
  }
  func.func @transform_8(%arg0: i32, %arg1: i32) -> (i32, i32) {
    %c0_i32 = arith.constant 0 : i32
    %c0_i32_0 = arith.constant 0 : i32
    %c0_i32_1 = arith.constant 0 : i32
    return %c0_i32, %c0_i32_0 : i32, i32
  }
  func.func @transform_9(%arg0: i32, %arg1: i32) -> (i32, i32) {
    %c0_i32 = arith.constant 0 : i32
    %c0_i32_0 = arith.constant 0 : i32
    %c0_i32_1 = arith.constant 0 : i32
    return %c0_i32, %c0_i32_0 : i32, i32
  }
  func.func @transform_10(%arg0: i32, %arg1: i32) -> (i32, i32) {
    %c0_i32 = arith.constant 0 : i32
    %c0_i32_0 = arith.constant 0 : i32
    %c0_i32_1 = arith.constant 0 : i32
    return %c0_i32, %c0_i32_0 : i32, i32
  }
  func.func @transform_11(%arg0: i32, %arg1: i32) -> (i32, i32, i32) {
    %c0_i32 = arith.constant 0 : i32
    %c0_i32_0 = arith.constant 0 : i32
    return %arg0, %arg1, %c0_i32 : i32, i32, i32
  }
}

</mosaic_0001>

<sc_bundles>
// kernel: kernel.6.cloned.1.call-start
scs
__scs_entry_jumppad:
0x0: {  	(pc) =	sbr.rel $0x88, $3  }
0x1: {  	(tag) =	ssettag $0x0;
	lr =	simm.s32 $0x1  }
0x2: {  	[smem:$0x3F94] =	sst lr;
	_ =	strace $0xD0000000  }
0x3: {  	_ = 	snop  }
0x4: {  	_ = 	snop  }
0x5: {  	_ = 	snop  }
0x6: {  	_ = 	snop  }
0x7: {  	_ = 	snop  }
__scs_overlays_trampoline_lowered:
0x8: {  	[smem:$0x3FA3] =	sst s0  }
0x9: {  	[smem:$0x3FA4] =	sst s1  }
0xa: {  	[smem:$0x3FA5] =	sst s2  }
0xb: {  	[smem:$0x3FA6] =	sst s3  }
0xc: {  	[smem:$0x3FA7] =	sst s4  }
0xd: {  	[smem:$0x3FA8] =	sst s5  }
0xe: {  	[smem:$0x3FA9] =	sst s6  }
0xf: {  	[smem:$0x3FAA] =	sst s7  }
0x10: {  	[smem:$0x3FAB] =	sst s8  }
0x11: {  	[smem:$0x3FAC] =	sst s9;
	s0 =	simm.s32 @!p0 $0x0  }
0x12: {  	s1 =	sld [smem:$0x3F92];
	s0 =	simm.s32 @p0 $0x1  }
0x13: {  	[smem:$0x3FAD] =	sst s0;
	s0 =	simm.s32 @!p1 $0x0  }
0x14: {  	s2 =	sld [smem:$0x3F91];
	s0 =	simm.s32 @p1 $0x1  }
0x15: {  	[smem:$0x3FAE] =	sst s0;
	s0 =	simm.s32 @!p2 $0x0  }
0x16: {  	s3 =	sld [smem:$0x3FDB];
	s0 =	simm.s32 @p2 $0x1  }
0x17: {  	s4 =	simm.s32 $0x1BF5;
	[smem:$0x3FB0] =	sst s0  }
0x18: {  	s0 =	sld [smem:$0x3F93];
	_ =	swait.ge [sflag:s4], $0x0  }
0x19: {  	s7 =	sld [smem:$0x3F94]  }
0x1a: {  	s8 =	sadd.s32 $0xFFFFE003, lr  }
0x1b: {  	s9 =	sadd.s32 $0xFFFFFEF7, lr;
	s5 =	simm.s32 $0xFFFFFFFF;
	p2 =	slt.u32 s8, $0xFFFFF086  }
0x1c: {  	p1 =	slt.u32 s9, $0xF7A;
	s5 =	simm.s32 @!p2 $0x0  }
0x1d: {  	s5 =	simm.s32 @p1 $0x1;
	p0 =	seq.s32 s7, s2  }
0x1e: {  	s7 =	smul.u32 @!p0 $0xF7A, s2;
	p2 =	seq.s32 @!p0 s5, $0x0  }
0x1f: {  	s9 =	smul.u32 $0xF7A, s1;
	s8 =	simm.s32 @!p0 $0x1BF5;
	p2 =	por !p2, p0  }
0x20: {  	[sflag:s8] =	ssyncset.s32 @!p0 $0xFFFFF086;
	s6 =	sadd.s32 @!p0 s3, s7;
	s7 =	simm.s32 @!p0 $0x108  }
0x21: {  	s3 =	sadd.s32 s3, s9;
	s6 =	sadd.s32 @!p0 $0x88, s6;
	s7 =	simm.s32 @p2 $0x1082  }
0x22: {  	[simem:s7], [sflag:s8] =	dma.local @!p0 [hbm:s6], $0xF7A  }
0x23: {  	s9 =	sor.u32 $0xD0000000, s2;
	s6 =	simm.s32 $0x108;
	_ =	swait.ge @!p0 [sflag:s8], $0x0  }
0x24: {  	s3 =	sadd.s32 $0x88, s3;
	s6 =	simm.s32 @!p1 $0x1082;
	[sflag:s4] =	ssyncset.s32 $0xFFFFF086  }
0x25: {  	[simem:s6], [sflag:s4] =	dma.local [hbm:s3], $0xF7A  }
0x26: {  	[smem:$0x3F94] =	sst s1;
	(tag) =	ssettag s2;
	_ =	strace s9  }
0x27: {  	s1 =	sld [smem:$0x3FA4]  }
0x28: {  	s2 =	sld [smem:$0x3FA5]  }
0x29: {  	s4 =	sld [smem:$0x3FA7]  }
0x2a: {  	p0 =	seq.s32 s5, $0x0;
	s5 =	sld [smem:$0x3FA8]  }
0x2b: {  	s6 =	sld [smem:$0x3FA9]  }
0x2c: {  	s7 =	sld [smem:$0x3FAA]  }
0x2d: {  	s3 =	simm.s32 $0x108;
	s8 =	sld [smem:$0x3FAB]  }
0x2e: {  	s3 =	simm.s32 @!p0 $0x1082;
	s9 =	sld [smem:$0x3FAC]  }
0x2f: {  	lr =	sadd.s32 s0, s3;
	s0 =	sld [smem:$0x3FA3]  }
0x30: {  	s3 =	sld [smem:$0x3FA6]  }
0x31: {  	[smem:$0x3FAF] =	sst s10  }
0x32: {  	s10 =	sld [smem:$0x3FAD];
	_ =	sdelay $0x3  }
0x33: {  	p0 =	seq.s32 s10, $0x1;
	s10 =	sld [smem:$0x3FAF];
	_ =	sdelay $0x3  }
0x34: {  	[smem:$0x3FAF] =	sst s10  }
0x35: {  	s10 =	sld [smem:$0x3FAE];
	_ =	sdelay $0x3  }
0x36: {  	p1 =	seq.s32 s10, $0x1;
	s10 =	sld [smem:$0x3FAF];
	_ =	sdelay $0x3  }
0x37: {  	[smem:$0x3FAF] =	sst s10  }
0x38: {  	s10 =	sld [smem:$0x3FB0]  }
0x39: {  	_ = 	snop;
	(pc) =	sbr.ind lr, $3  }
0x3a: {  	_ = 	snop  }
0x3b: {  	_ = 	snop  }
0x3c: {  	p2 =	seq.s32 s10, $0x1;
	s10 =	sld [smem:$0x3FAF]  }
0x3d: {  	_ =	shalt  }
0x3e: {  	_ =	shalt  }
0x3f: {  	_ =	shalt  }
0x40: {  	_ =	shalt  }
0x41: {  	_ =	shalt  }
0x42: {  	_ =	shalt  }
0x43: {  	_ =	shalt  }
0x44: {  	_ =	shalt  }
0x45: {  	_ =	shalt  }
0x46: {  	_ =	shalt  }
0x47: {  	_ =	shalt  }
0x48: {  	_ =	shalt  }
0x49: {  	_ =	shalt  }
0x4a: {  	_ =	shalt  }
0x4b: {  	_ =	shalt  }
0x4c: {  	_ =	shalt  }
0x4d: {  	_ =	shalt  }
0x4e: {  	_ =	shalt  }
0x4f: {  	_ =	shalt  }
0x50: {  	_ =	shalt  }
0x51: {  	_ =	shalt  }
0x52: {  	_ =	shalt  }
0x53: {  	_ =	shalt  }
0x54: {  	_ =	shalt  }
0x55: {  	_ =	shalt  }
0x56: {  	_ =	shalt  }
0x57: {  	_ =	shalt  }
0x58: {  	_ =	shalt  }
0x59: {  	_ =	shalt  }
0x5a: {  	_ =	shalt  }
0x5b: {  	_ =	shalt  }
0x5c: {  	_ =	shalt  }
0x5d: {  	_ =	shalt  }
0x5e: {  	_ =	shalt  }
0x5f: {  	_ =	shalt  }
0x60: {  	_ =	shalt  }
0x61: {  	_ =	shalt  }
0x62: {  	_ =	shalt  }
0x63: {  	_ =	shalt  }
0x64: {  	_ =	shalt  }
0x65: {  	_ =	shalt  }
0x66: {  	_ =	shalt  }
0x67: {  	_ =	shalt  }
0x68: {  	_ =	shalt  }
0x69: {  	_ =	shalt  }
0x6a: {  	_ =	shalt  }
0x6b: {  	_ =	shalt  }
0x6c: {  	_ =	shalt  }
0x6d: {  	_ =	shalt  }
0x6e: {  	_ =	shalt  }
0x6f: {  	_ =	shalt  }
0x70: {  	_ =	shalt  }
0x71: {  	_ =	shalt  }
0x72: {  	_ =	shalt  }
0x73: {  	_ =	shalt  }
0x74: {  	_ =	shalt  }
0x75: {  	_ =	shalt  }
0x76: {  	_ =	shalt  }
0x77: {  	_ =	shalt  }
0x78: {  	_ =	shalt  }
0x79: {  	_ =	shalt  }
0x7a: {  	_ =	shalt  }
0x7b: {  	_ =	shalt  }
0x7c: {  	_ =	shalt  }
0x7d: {  	_ =	shalt  }
0x7e: {  	_ =	shalt  }
0x7f: {  	_ =	shalt  }
0x80: {  	_ =	shalt  }
0x81: {  	_ =	shalt  }
0x82: {  	_ =	shalt  }
0x83: {  	_ =	shalt  }
0x84: {  	_ =	shalt  }
0x85: {  	_ =	shalt  }
0x86: {  	_ =	shalt  }
0x87: {  	_ =	shalt  }
.Lfunc_end0:
.L_simem_size_0:
called_computation_lowered:
.L_overlay_start_0:
0x88: {  	s2 =	sld [smem:$0x3FD9]  }
0x89: {  	s3 =	sld [smem:$0x3FFE];
	_ =	sdelay $0x1  }
0x8a: {  	s1 =	srdreg.scid  }
0x8b: {  	s0 =	sand.u32 $0x1, s1  }
0x8c: {  	s17 =	sshll.u32 s0, $0xA;
	s2 =	sadd.s32 s3, s2  }
0x8d: {  	s2 =	sadd.s32 s2, s17  }
0x8e: {  	[smem:$0x3FBB] =	sst s2  }
0x8f: {  	_ = 	snop  }
0x90: {  	s2 =	sld [smem:$0x3FD0];
	(tm) =	ssettm $0x1  }
0x91: {  	s18 =	sld [smem:$0x3FFB];
	_ =	sdelay $0x3  }
0x92: {  	_ =	strace s18  }
0x93: {  	s3 =	sld [smem:$0x3FFC];
	_ =	sdelay $0x3  }
0x94: {  	_ =	strace s3  }
0x95: {  	s3 =	sld [smem:$0x3FFD];
	_ =	sdelay $0x3  }
0x96: {  	_ =	strace s3  }
0x97: {  	_ =	strace $0x8FFFFFFF  }
0x98: {  	s19 =	sld [smem:$0x3FDB];
	_ =	sdelay $0x1  }
0x99: {  	s4 =	simm.s32 $_scs_section_size  }
0x9a: {  	s5 =	simm.s32 $_size__tile_overlayer_lowered;
	s6 =	simm.s32 $_tile_overlayer_lowered  }
0x9b: {  	s22 =	simm.s32 $0x1BFF;
	s21 =	sshll.u32 s6, $0x1;
	s3 =	sadd.s32 s4, s19  }
0x9c: {  	s7 =	simm.s32 $0x0;
	s20 =	sshll.u32 s5, $0x1;
	s5 =	sadd.s32 s21, s3  }
0x9d: {  	[timem:s7], [sflag:s22] =	dma.local [hbm:s5], s20  }
0x9e: {  	_ =	swait.ge [sflag:s22], s20  }
0x9f: {  	s4 =	ssub.s32 $0x0, s20;
	[sflag:s22] =	ssyncset.done $0x0  }
0xa0: {  	[sflag:s22] =	ssyncadd.s32 s4;
	_ =	sdelay $0x1  }
0xa1: {  	s23 =	simm.s32 $0x1B8B  }
0xa2: {  	_ =	swait.ge [sflag:s23], $0x1  }
0xa3: {  	[sflag:s23] =	ssyncset.done $0x0  }
0xa4: {  	s25 =	simm.s32 $0x1B8E;
	s24 =	sld [smem:$0x3FFE];
	[sflag:s23] =	ssyncadd.s32 $0xFFFFFFFF  }
0xa5: {  	s26 =	simm.s32 $execute0_lowered;
	[smem:$0x3FD2] =	sst s25  }
0xa6: {  	s5 =	sshll.u32 s26, $0x1;
	_ =	strace $0x80000046;
	[dreg:$0x1] =	wrdreg $0xFFFFFFFF  }
0xa7: {  	s28 =	simm.s32 $_size_execute0_lowered;
	s3 =	sadd.s32 s3, s5;
	[dreg:$0x0] =	wrdreg $0x0  }
0xa8: {  	s5 =	sshll.u32 s28, $0x1;
	[dreg:$0x2] =	wrdreg s3  }
0xa9: {  	[dreg:$0x3] =	wrdreg s5  }
0xaa: {  	[dreg:$0x4] =	wrdreg $0xC0  }
0xab: {  	_ =	task [dreg:s7], $0x5FFFF  }
0xac: {  	[dreg:$0x1] =	wrdreg $0xFFFFFFFF  }
0xad: {  	[dreg:$0x0] =	wrdreg $0x60  }
0xae: {  	[dreg:$0x2] =	wrdreg s2  }
0xaf: {  	[dreg:$0x3] =	wrdreg s24  }
0xb0: {  	[dreg:$0x4] =	wrdreg $0x9  }
0xb1: {  	_ =	task.clear_ibuf [dreg:s7], $0x5FFFF;
	_ =	strace $0x90000046  }
0xb2: {  	s29 =	simm.s32 $0x9;
	_ =	strace $0x80000048  }
0xb3: {  	_ =	swait.ge [sflag:s29], $0x1  }
0xb4: {  	[sflag:s29] =	ssyncadd.s32 $0xFFFFFFFF  }
0xb5: {  	_ =	strace $0x90000048  }
0xb6: {  	_ =	sfence  }
0xb7: {  	s30 =	sld [smem:$0x0];
	_ =	sdelay $0x2  }
0xb8: {  	s31 =	sshll.u32 s1, $0xD;
	s1 =	sshrl.u32 s1, $0x2  }
0xb9: {  	s3 =	sand.u32 $0x4000, s31;
	s1 =	sadd.s32 s1, s30  }
0xba: {  	s0 =	sor.u32 s3, s0;
	s1 =	sshll.u32 s1, $0x11  }
0xbb: {  	s0 =	sor.u32 s1, s0  }
0xbc: {  	s0 =	sadd.s32 $0x8F2B, s0  }
0xbd: {  	[sflag:s0] =	ssyncadd.remote.s32 $0x1  }
0xbe: {  	_ =	sfence.sel $0xFFFF  }
0xbf: {  	[dreg:$0x0] =	wrdreg $0xFFFFFFFF;
	(pc) =	sbr.abs _section_cstart, $3  }
0xc0: {  	[dreg:$0x1] =	wrdreg $0xFFFFFFFF  }
0xc1: {  	_ =	task.clear_ibuf [dreg:s7], $0x2FFFF;
	_ =	strace $0x9FFFFFFF  }
0xc2: {  	(tm) =	ssettm $0x7FFFFFFF  }
0xc3: {  	_ =	shalt  }
tec
execute0_lowered:
.L_overlay_start_1:
0x0: {  	(tag) =	ssettag $0x1  }
0x1: {  	s5 =	rddreg [dreg:$0x0]  }
0x2: {  	s6 =	rddreg [dreg:$0x1]  }
0x3: {  	s0 =	rddreg [dreg:$0x2]  }
0x4: {  	s2 =	simm.s32 $0x0;
	s1 =	stileid.u32;
	s7 =	srdreg.scid  }
0x5: {  	s12 =	simm.s32 $0xA000;
	s13 =	simm.s32 $0x1;
	s14 =	simm.s32 $0x2  }
0x6: {  	s15 =	simm.s32 $0x0;
	[smem:$0x7FF] =	sst s2;
	s3 =	sadd.s32 $0x81E00, s6  }
0x7: {  	s4 =	sadd.s32 $0x41E00, s6;
	s8 =	sshll.u32 s1, $0x12;
	s7 =	sand.u32 $0x1, s7  }
0x8: {  	s10 =	sshll.u32 s1, $0xE;
	_ =	strace $0x80000047;
	s9 =	ssub.s32 $0x2, s7  }
0x9: {  	s11 =	sshll.u32 s7, $0xD;
	s8 =	sadd.s32 s8, s6;
	s7 =	sshll.u32 s7, $0x11  }
0xa: {  	s30 =	sshrl.u32 s9, $0x1;
	s10 =	sor.u32 s11, s10;
	s8 =	sadd.s32 s7, s8  }
0xb: {  	s11 =	simm.s32 $0x2000;
	s6 =	ssub.s32 s9, s30;
	s31 =	sshrl.u32 s10, $0x3  }
0xc: {  	s7 =	sadd.s32 $0x101E00, s8;
	s8 =	sadd.s32 $0x501E00, s8;
	s9 =	simm.s32 $0x3  }
0xd: {  	s10 =	simm.s32 $0x100;
	s5 =	sadd.s32 s5, s31;
	s6 =	smax.u32 s6, $0x1  }
.LBB2_1:
0xe: {  	[tilespmem:s2], [sflag:$0x3] =	stream.linear.gather [hbm4b:s5+s2], $0x2000, $0x38;
	[tilespmem:$0x12000] =	vst v63  }
0xf: {  	_ =	swait.ge [sflag:s9], $0x2000  }
0x10: {  	[sflag:s9] =	ssyncset.done $0x0  }
0x11: {  	[sflag:s9] =	ssyncadd.s32 $0xFFFFE000  }
0x12: {  	[tilespmem:s11], [sflag:$0x1] =	stream.indirect.gather [hbm4b:s3+s10], $0x80, s2, s10, $0xb8;
	[tilespmem:$0x12000] =	vst v63  }
0x13: {  	_ = 	snop  }
0x14: {  	[tilespmem:s12], [sflag:$0x2] =	stream.indirect.gather [hbm4b:s4+s10], $0x80, s2, s10, $0xb8;
	[tilespmem:$0x12000] =	vst v63  }
0x15: {  	_ =	swait.ge [sflag:s13], $0x8000  }
0x16: {  	[sflag:s13] =	ssyncset.done $0x0  }
0x17: {  	[sflag:s13] =	ssyncadd.s32 $0xFFFF8000  }
0x18: {  	_ =	swait.ge [sflag:s14], $0x8000  }
0x19: {  	[sflag:s14] =	ssyncset.done $0x0  }
0x1a: {  	s16 =	sadd.s32 $0x0, s7;
	[sflag:s14] =	ssyncadd.s32 $0xFFFF8000  }
0x1b: {  	[hbm4b:s16+s2] =	stream.linear.scatter [tilespmem:s11], [sflag:$0x3], $0x8000, $0x38;
	[tilespmem:$0x12000] =	vst v63  }
0x1c: {  	_ =	swait.ge [sflag:s9], $0x8000  }
0x1d: {  	[sflag:s9] =	ssyncset.done $0x0  }
0x1e: {  	s31 =	sadd.s32 $0x0, s8;
	[sflag:s9] =	ssyncadd.s32 $0xFFFF8000  }
0x1f: {  	[hbm4b:s31+s2] =	stream.linear.scatter [tilespmem:s12], [sflag:$0x3], $0x8000, $0x38;
	[tilespmem:$0x12000] =	vst v63  }
0x20: {  	_ =	swait.ge [sflag:s9], $0x8000  }
0x21: {  	s17 =	simm.s32 $0x0;
	s16 =	simm.s32 $0x1000;
	[sflag:s9] =	ssyncset.done $0x0  }
.LBB2_2:
0x22: {  	p0 =	sne.s32 s16, $0x1F000;
	[sflag:s9] =	ssyncadd.s32 $0xFFFF8000;
	s17 =	sadd.s32 $0x100, s17  }
0x23: {  	[tilespmem:s11], [sflag:$0x1] =	stream.indirect.gather [hbm4b:s3+s10], $0x80, s17, s10, $0xb8;
	[tilespmem:$0x12000] =	vst v63  }
0x24: {  	s18 =	smov.u32 s16;
	s16 =	sadd.s32 $0x1000, s16  }
0x25: {  	[tilespmem:s12], [sflag:$0x2] =	stream.indirect.gather [hbm4b:s4+s10], $0x80, s17, s10, $0xb8;
	[tilespmem:$0x12000] =	vst v63  }
0x26: {  	_ =	swait.ge [sflag:s13], $0x8000  }
0x27: {  	[sflag:s13] =	ssyncset.done $0x0  }
0x28: {  	[sflag:s13] =	ssyncadd.s32 $0xFFFF8000  }
0x29: {  	_ =	swait.ge [sflag:s14], $0x8000  }
0x2a: {  	[sflag:s14] =	ssyncset.done $0x0  }
0x2b: {  	s19 =	sadd.s32 s18, s7;
	[sflag:s14] =	ssyncadd.s32 $0xFFFF8000  }
0x2c: {  	[hbm4b:s19+s2] =	stream.linear.scatter [tilespmem:s11], [sflag:$0x3], $0x8000, $0x38;
	[tilespmem:$0x12000] =	vst v63  }
0x2d: {  	_ =	swait.ge [sflag:s9], $0x8000  }
.Ltmp0:
0x2e: {  	[sflag:s9] =	ssyncset.done $0x0;
	(pc) =	sbr.rel @p0 .LBB2_2-.Ltmp0, $4  }
0x2f: {  	s18 =	sadd.s32 s18, s8;
	[sflag:s9] =	ssyncadd.s32 $0xFFFF8000  }
0x30: {  	[hbm4b:s18+s2] =	stream.linear.scatter [tilespmem:s12], [sflag:$0x3], $0x8000, $0x38;
	[tilespmem:$0x12000] =	vst v63  }
0x31: {  	_ =	swait.ge [sflag:s9], $0x8000  }
0x32: {  	[sflag:s9] =	ssyncset.done $0x0  }
0x33: {  	s15 =	sadd.s32 $0x1, s15  }
0x34: {  	p0 =	sne.s32 s15, s6  }
.Ltmp1:
0x35: {  	_ = 	snop;
	(pc) =	sbr.rel @p0 .LBB2_1-.Ltmp1, $2  }
0x36: {  	_ =	sdelay $0x2  }
0x37: {  	[sflag:s9] =	ssyncadd.s32 $0xFFFF8000  }
0x38: {  	_ =	sfence.sel $0x180000  }
0x39: {  	[bflag:$0x0] =	sbarrier.arrive $0xFFFF  }
0x3a: {  	p0 =	sne.s32 s1, $0x0;
	_ =	strace $0x90000047  }
0x3b: {  	s0 =	sadd.s32 @!p0 $0x100000, s0;
	[bflag:$0x2] =	sbarrier.arrive $0xFFFF  }
0x3c: {  	[sflag:s0] =	ssyncadd.tile.s32 @!p0 $0x1;
	_ =	shalt  }
.Lfunc_end2:
_tile_overlayer_lowered:
.L_overlay_start_2:
0x3d: {  	(tag) =	ssettag $0x2  }
0x3e: {  	s0 =	rddreg [dreg:$0x0];
	s2 =	stileid.u32  }
0x3f: {  	s1 =	rddreg [dreg:$0x1];
	p0 =	sne.s32 s2, $0x0  }
0x40: {  	s3 =	rddreg [dreg:$0x2];
	[bflag:$0x3] =	sbarrier.arrive $0xFFFF;
	s2 =	simm.s32 @!p0 $0x1C03  }
0x41: {  	[timem:s3], [sflag:s2] =	dma.local @!p0 [hbm:s0], s1  }
0x42: {  	s0 =	simm.s32 @!p0 $0x3  }
0x43: {  	_ =	swait.ge @!p0 [sflag:s0], s1  }
0x44: {  	s1 =	ssub.s32 @!p0 $0x0, s1;
	[sflag:s0] =	ssyncset.done @!p0 $0x0  }
0x45: {  	[sflag:s0] =	ssyncadd.s32 @!p0 s1  }
0x46: {  	[bflag:$0x3] =	sbarrier.arrive $0xFFFF  }
0x47: {  	_ =	shalt  }

</sc_bundles>
